<compile_context>
chip_gen: v7x
topology: tpu7x:2x2x1
jax: 0.10.2.dev20260603
libtpu: 0.0.44.dev20260713+nightly
codegen_flags: <defaults>
</compile_context>

<pallas_src>
import functools

import jax
import jax.numpy as jnp
from jax import lax
from jax.experimental import pallas as pl
from jax.experimental.pallas import tpu as pltpu
from jax.experimental.pallas import tpu_sc as plsc

_NC = 2
_NS = 16
_L = 16


def kernel(ps, x, Min, Hsx, Hxs, factor_neighbors, variable_neighbors):
    del Hsx, Hxs
    N, DV = factor_neighbors.shape
    K, DC = variable_neighbors.shape
    NW = _NC * _NS
    GC = -(-N // (NW * _L))
    OC = GC * _L
    NP = NW * OC
    VA = NP // _NS
    GA = VA // _L
    KP = _NS * _L * (-(-K // (_NS * _L)))
    FB = KP // _NS
    GB = FB // _L

    ps0 = jnp.pad(ps[:, 0], (0, NP - N), constant_values=0.5)
    ps1 = jnp.pad(ps[:, 1], (0, NP - N), constant_values=0.5)
    mn0 = jnp.pad(Min[:, 0], (0, NP - N), constant_values=0.5)
    mn1 = jnp.pad(Min[:, 1], (0, NP - N), constant_values=0.5)
    xf = jnp.pad(x[:, 0], (0, KP - K))
    vnf = jnp.pad(variable_neighbors, ((0, KP - K), (0, 0))).reshape(-1)
    fnf = jnp.pad(factor_neighbors, ((0, NP - N), (0, 0))).reshape(-1)

    mesh = plsc.VectorSubcoreMesh(core_axis_name="c", subcore_axis_name="s")

    @functools.partial(
        pl.kernel,
        out_type=[
            jax.ShapeDtypeStruct((2 * NP,), jnp.float32),
            jax.ShapeDtypeStruct((_NC * NP,), jnp.float32),
            jax.ShapeDtypeStruct((_NC * KP,), jnp.float32),
        ],
        mesh=mesh,
        compiler_params=pltpu.CompilerParams(needs_layout_passes=False),
        scratch_types=[
            pltpu.VMEM((VA,), jnp.float32),
            pltpu.VMEM((VA,), jnp.float32),
            pltpu.VMEM((VA,), jnp.float32),
            pltpu.VMEM((VA,), jnp.float32),
            pltpu.VMEM((NP,), jnp.float32),
            pltpu.VMEM((FB,), jnp.float32),
            pltpu.VMEM((FB * DC,), jnp.int32),
            pltpu.VMEM((KP,), jnp.float32),
            pltpu.VMEM((OC * DV,), jnp.int32),
            pltpu.VMEM((2 * OC,), jnp.float32),
            pltpu.SemaphoreType.DMA,
        ],
    )
    def bp(ps0_h, ps1_h, mn0_h, mn1_h, x_h, vn_h, fn_h, out_h, ts_h, qs_h,
           ps0_v, ps1_v, mn0_v, mn1_v, t_v, x_v, vn_v, q_v, fn_v, out_v, sem):
        cid = lax.axis_index("c")
        sid = lax.axis_index("s")
        wid = cid * _NS + sid
        vb = wid * OC
        ab = sid * VA
        fb = sid * FB

        cps0 = pltpu.async_copy(ps0_h.at[pl.ds(ab, VA)], ps0_v, sem)
        cps1 = pltpu.async_copy(ps1_h.at[pl.ds(ab, VA)], ps1_v, sem)
        cmn0 = pltpu.async_copy(mn0_h.at[pl.ds(ab, VA)], mn0_v, sem)
        cmn1 = pltpu.async_copy(mn1_h.at[pl.ds(ab, VA)], mn1_v, sem)
        cx = pltpu.async_copy(x_h.at[pl.ds(fb, FB)], x_v, sem)
        cvn = pltpu.async_copy(vn_h.at[pl.ds(fb * DC, FB * DC)], vn_v, sem)
        cfn = pltpu.async_copy(fn_h.at[pl.ds(vb * DV, OC * DV)], fn_v, sem)
        cps0.wait()
        cps1.wait()
        cmn0.wait()
        cmn1.wait()

        iota = lax.iota(jnp.int32, _L)

        @pl.loop(0, GA)
        def phase_a(i):
            o = i * _L
            a = ps0_v[pl.ds(o, _L)] * mn0_v[pl.ds(o, _L)]
            b = ps1_v[pl.ds(o, _L)] * mn1_v[pl.ds(o, _L)]
            t_v[pl.ds(ab + o, _L)] = (a - b) / (a + b)

        pltpu.sync_copy(t_v.at[pl.ds(ab, VA)], ts_h.at[pl.ds(cid * NP + ab, VA)])
        plsc.subcore_barrier()
        ct = pltpu.async_copy(ts_h.at[pl.ds(cid * NP, NP)], t_v, sem)
        cx.wait()
        cvn.wait()
        ct.wait()

        @pl.loop(0, GB)
        def phase_b(i):
            o = i * _L
            ebase = (o + iota) * DC
            nullc = jnp.zeros((_L,), jnp.float32)
            prod = jnp.ones((_L,), jnp.float32)
            for c in range(DC):
                u = plsc.load_gather(vn_v, [ebase + c])
                tg = plsc.load_gather(t_v, [u])
                zc = tg == 0.0
                nullc = nullc + jnp.where(zc, 1.0, 0.0)
                prod = prod * jnp.where(zc, 1.0, tg)
            p = (1.0 - 2.0 * x_v[pl.ds(o, _L)]) * prod
            q = jnp.where(nullc >= 2.0, 8.0,
                          jnp.where(nullc == 1.0, p + 4.0, p))
            q_v[pl.ds(fb + o, _L)] = q

        pltpu.sync_copy(q_v.at[pl.ds(fb, FB)], qs_h.at[pl.ds(cid * KP + fb, FB)])
        plsc.subcore_barrier()
        cq = pltpu.async_copy(qs_h.at[pl.ds(cid * KP, KP)], q_v, sem)
        cfn.wait()
        cq.wait()

        @pl.loop(0, GC)
        def phase_c(i):
            o = i * _L
            lidx = o + iota
            tv = plsc.load_gather(t_v, [vb + lidx])
            ys = []
            for j in range(DV):
                f = plsc.load_gather(fn_v, [lidx * DV + j])
                qf = plsc.load_gather(q_v, [f])
                yn1 = jnp.where(tv == 0.0, qf - 4.0, 0.0)
                y = jnp.where(jnp.abs(qf) < 2.0, qf / tv,
                              jnp.where(qf < 6.0, yn1, 0.0))
                ys.append(y)
            y0, y1, y2 = ys
            e1 = y0 + y1 + y2
            e2 = y0 * y1 + y0 * y2 + y1 * y2
            e3 = y0 * y1 * y2
            dd = (e1 + e3) / (1.0 + e2)
            out_v[pl.ds(o, _L)] = 0.5 + 0.5 * dd
            out_v[pl.ds(OC + o, _L)] = 0.5 - 0.5 * dd

        c0 = pltpu.async_copy(out_v.at[pl.ds(0, OC)], out_h.at[pl.ds(vb, OC)], sem)
        c1 = pltpu.async_copy(out_v.at[pl.ds(OC, OC)], out_h.at[pl.ds(NP + vb, OC)], sem)
        c0.wait()
        c1.wait()

    out, _, _ = bp(ps0, ps1, mn0, mn1, xf, vnf, fnf)
    return jnp.stack([out[:N], out[NP:NP + N]], axis=1)

# --- scband reference (transcript-rebuilt; emitter-appended) ---
"""Pipeline reference for scband-code-bp-29265907155195 (READ-ONLY COPY).

The authoritative reference and input builder live on the scoring server;
editing this copy changes nothing except your own understanding.
"""

import jax, jax.numpy as jnp
import numpy as np

N = 10000  # variables (columns of H)
K = 5000   # factors (rows of H)
DV = 3     # max_factor_neighbors (column weight)
DC = 6     # max_variable_neighbors (row weight)


def _build_graph(seed=0):
    # regular (3,6) LDPC bipartite graph via random stub matching
    rng = np.random.default_rng(seed)
    E = N * DV  # == K * DC
    perm = rng.permutation(E)
    var_of_edge = np.arange(E) // DV
    factor_of_edge = perm // DC
    factor_neighbors = factor_of_edge.reshape(N, DV)      # neighbors_of_variable
    order = np.argsort(perm)
    variable_neighbors = var_of_edge[order].reshape(K, DC)  # neighbors_of_factor
    return factor_neighbors.astype(np.int32), variable_neighbors.astype(np.int32)


def setup_inputs(seed: int = 0) -> dict:
    key = jax.random.key(seed)
    k1, k2, k3 = jax.random.split(key, 3)
    ps = jax.random.uniform(k1, (N, 2), minval=0.05, maxval=0.95, dtype=jnp.float32)
    Min = jax.random.uniform(k2, (N, 2), minval=0.05, maxval=0.95, dtype=jnp.float32)
    x = jax.random.randint(k3, (K, 1), 0, 2).astype(jnp.float32)
    Hsx = jnp.zeros((K, N), jnp.float32)
    Hxs = jnp.zeros((K, N), jnp.float32)
    fn, vn = _build_graph()
    return {"ps": ps, "x": x, "Min": Min, "Hsx": Hsx, "Hxs": Hxs,
            "factor_neighbors": jnp.asarray(fn), "variable_neighbors": jnp.asarray(vn)}


def _forward(ps, x, Min, Hsx, Hxs, fn, vn):
    log_Min = 0.5 * (jnp.log(Min[:, 0]) - jnp.log(Min[:, 1]))
    log_ps = 0.5 * (jnp.log(ps[:, 0]) - jnp.log(ps[:, 1]))
    lp = (log_Min + log_ps)[:, None]                                  # [N,1]
    grid_v = jnp.broadcast_to(jnp.arange(N, dtype=jnp.int32)[:, None], (N, DV))

    # ---- variable -> factor messages (Hsx update) ----
    Hxs_g = Hxs[fn, grid_v]                                           # [N,DV] gather
    inf_check = jnp.isinf(Hxs_g)
    sure = jnp.sum(inf_check.astype(jnp.float32), -1, keepdims=True)
    ll_sum = jnp.sum(jnp.where(inf_check, 0.0, Hxs_g), -1, keepdims=True)
    sure_sum = jnp.sum(jnp.where(inf_check, Hxs_g, 0.0), -1, keepdims=True)
    base = jnp.broadcast_to(lp, (N, DV))
    msg0 = base + ll_sum - Hxs_g                                      # sure == 0
    msg1 = jnp.where(inf_check, base + ll_sum, jnp.broadcast_to(sure_sum, (N, DV)))  # sure == 1
    msg2 = jnp.where(jnp.isnan(sure_sum), 0.0, base + sure_sum)      # sure > 1
    msg = jnp.where(sure == 0, msg0, jnp.where(sure == 1, msg1, msg2))
    Hsx_new = Hsx.at[fn.reshape(-1), grid_v.reshape(-1)].set(msg.reshape(-1))

    # ---- factor -> variable messages (Hxs update) ----
    grid_f = jnp.broadcast_to(jnp.arange(K, dtype=jnp.int32)[:, None], (K, DC))
    ll_diff = jnp.tanh(Hsx_new[grid_f, vn])                           # [K,DC] gather
    zero_check = ll_diff == 0
    prod_all = jnp.prod(jnp.where(zero_check, 1.0, ll_diff), -1, keepdims=True)
    ll_diff_prod = (1.0 - 2.0 * x) * prod_all                         # [K,1]
    null = jnp.sum(zero_check.astype(jnp.float32), -1, keepdims=True)
    safe_div = ll_diff_prod / jnp.where(zero_check, 1.0, ll_diff)
    hxs_null1 = jnp.where(zero_check, jnp.arctanh(ll_diff_prod), 0.0)
    hxs_msg = jnp.where(null > 1, 0.0,
                        jnp.where(null == 1, hxs_null1, jnp.arctanh(safe_div)))
    Hxs_new = Hxs.at[grid_f.reshape(-1), vn.reshape(-1)].set(hxs_msg.reshape(-1))

    # ---- marginal output M_out ----
    g = Hxs_new[fn, grid_v]                                           # [N,3] gather
    M_out_diff = jnp.tanh(jnp.sum(g, -1, keepdims=True))
    nan_check = jnp.isnan(M_out_diff) & jnp.isinf(g)
    row_has = jnp.sum(nan_check.astype(jnp.float32), -1, keepdims=True) > 0
    alt = jnp.tanh(jnp.sum(jnp.where(nan_check, 0.0, g), -1, keepdims=True))
    M_out_diff = jnp.where(row_has, alt, M_out_diff)
    M_out = 0.5 + jnp.concatenate([M_out_diff, -M_out_diff], -1) / 2.0
    return M_out


def reference(ps, x, Min, Hsx, Hxs, factor_neighbors, variable_neighbors):
    return _forward(ps, x, Min, Hsx, Hxs, factor_neighbors, variable_neighbors)

if __name__ == "__main__":
    import jax
    _d = setup_inputs()
    print(jax.jit(kernel)(*tuple(_d.values())))

</pallas_src>

<mosaic_0001>
#map = affine_map<(d0, d1) -> (0)>
module attributes {stable_mosaic.version = 14 : i64} {
  func.func @bp(%arg0: i32, %arg1: i32, %arg2: memref<10240xf32, #tpu.memory_space<hbm>>, %arg3: memref<10240xf32, #tpu.memory_space<hbm>>, %arg4: memref<10240xf32, #tpu.memory_space<hbm>>, %arg5: memref<10240xf32, #tpu.memory_space<hbm>>, %arg6: memref<5120xf32, #tpu.memory_space<hbm>>, %arg7: memref<30720xi32, #tpu.memory_space<hbm>>, %arg8: memref<30720xi32, #tpu.memory_space<hbm>>, %arg9: memref<20480xf32, #tpu.memory_space<hbm>>, %arg10: memref<20480xf32, #tpu.memory_space<hbm>>, %arg11: memref<10240xf32, #tpu.memory_space<hbm>>, %arg12: memref<640xf32, #tpu.memory_space<vmem>>, %arg13: memref<640xf32, #tpu.memory_space<vmem>>, %arg14: memref<640xf32, #tpu.memory_space<vmem>>, %arg15: memref<640xf32, #tpu.memory_space<vmem>>, %arg16: memref<10240xf32, #tpu.memory_space<vmem>>, %arg17: memref<320xf32, #tpu.memory_space<vmem>>, %arg18: memref<1920xi32, #tpu.memory_space<vmem>>, %arg19: memref<5120xf32, #tpu.memory_space<vmem>>, %arg20: memref<960xi32, #tpu.memory_space<vmem>>, %arg21: memref<640xf32, #tpu.memory_space<vmem>>, %arg22: memref<!tpu.dma_semaphore, #tpu.memory_space<semaphore_mem>>) attributes {dimension_semantics = [#tpu.dimension_semantics<core_parallel>, #tpu.dimension_semantics<subcore_parallel>], iteration_bounds = array<i64: 2, 16>, scalar_prefetch = 0 : i64, scratch_operands = 11 : i64, tpu.core_type = #tpu.core_type<sc_vector_subcore>, window_params = [{transform_indices = #map}, {transform_indices = #map}, {transform_indices = #map}, {transform_indices = #map}, {transform_indices = #map}, {transform_indices = #map}, {transform_indices = #map}, {transform_indices = #map}, {transform_indices = #map}, {transform_indices = #map}]} {
    %mul3A = arith.constant 16 : i32
    %mul3A_0 = arith.muli %arg0, %mul3A : i32
    %add3A = arith.addi %mul3A_0, %arg1 : i32
    %mul3A_1 = arith.constant 320 : i32
    %mul3A_2 = arith.muli %add3A, %mul3A_1 : i32
    %mul3A_3 = arith.constant 640 : i32
    %mul3A_4 = arith.muli %arg1, %mul3A_3 : i32
    %mul3A_5 = arith.constant 320 : i32
    %mul3A_6 = arith.muli %arg1, %mul3A_5 : i32
    %dma_start3A = tpu.memref_slice %arg2[%mul3A_4] : memref<10240xf32, #tpu.memory_space<hbm>> -> memref<640xf32, #tpu.memory_space<hbm>>
    %dma_start3A_7 = tpu.memref_slice %arg2[%mul3A_4] : memref<10240xf32, #tpu.memory_space<hbm>> -> memref<640xf32, #tpu.memory_space<hbm>>
    tpu.enqueue_dma source(%dma_start3A_7 : memref<640xf32, #tpu.memory_space<hbm>>) target(%arg12 : memref<640xf32, #tpu.memory_space<vmem>>) target_semaphore(%arg22 : memref<!tpu.dma_semaphore, #tpu.memory_space<semaphore_mem>>)
    %dma_start3A_8 = tpu.memref_slice %arg3[%mul3A_4] : memref<10240xf32, #tpu.memory_space<hbm>> -> memref<640xf32, #tpu.memory_space<hbm>>
    %dma_start3A_9 = tpu.memref_slice %arg3[%mul3A_4] : memref<10240xf32, #tpu.memory_space<hbm>> -> memref<640xf32, #tpu.memory_space<hbm>>
    tpu.enqueue_dma source(%dma_start3A_9 : memref<640xf32, #tpu.memory_space<hbm>>) target(%arg13 : memref<640xf32, #tpu.memory_space<vmem>>) target_semaphore(%arg22 : memref<!tpu.dma_semaphore, #tpu.memory_space<semaphore_mem>>)
    %dma_start3A_10 = tpu.memref_slice %arg4[%mul3A_4] : memref<10240xf32, #tpu.memory_space<hbm>> -> memref<640xf32, #tpu.memory_space<hbm>>
    %dma_start3A_11 = tpu.memref_slice %arg4[%mul3A_4] : memref<10240xf32, #tpu.memory_space<hbm>> -> memref<640xf32, #tpu.memory_space<hbm>>
    tpu.enqueue_dma source(%dma_start3A_11 : memref<640xf32, #tpu.memory_space<hbm>>) target(%arg14 : memref<640xf32, #tpu.memory_space<vmem>>) target_semaphore(%arg22 : memref<!tpu.dma_semaphore, #tpu.memory_space<semaphore_mem>>)
    %dma_start3A_12 = tpu.memref_slice %arg5[%mul3A_4] : memref<10240xf32, #tpu.memory_space<hbm>> -> memref<640xf32, #tpu.memory_space<hbm>>
    %dma_start3A_13 = tpu.memref_slice %arg5[%mul3A_4] : memref<10240xf32, #tpu.memory_space<hbm>> -> memref<640xf32, #tpu.memory_space<hbm>>
    tpu.enqueue_dma source(%dma_start3A_13 : memref<640xf32, #tpu.memory_space<hbm>>) target(%arg15 : memref<640xf32, #tpu.memory_space<vmem>>) target_semaphore(%arg22 : memref<!tpu.dma_semaphore, #tpu.memory_space<semaphore_mem>>)
    %dma_start3A_14 = tpu.memref_slice %arg6[%mul3A_6] : memref<5120xf32, #tpu.memory_space<hbm>> -> memref<320xf32, #tpu.memory_space<hbm>>
    %dma_start3A_15 = tpu.memref_slice %arg6[%mul3A_6] : memref<5120xf32, #tpu.memory_space<hbm>> -> memref<320xf32, #tpu.memory_space<hbm>>
    tpu.enqueue_dma source(%dma_start3A_15 : memref<320xf32, #tpu.memory_space<hbm>>) target(%arg17 : memref<320xf32, #tpu.memory_space<vmem>>) target_semaphore(%arg22 : memref<!tpu.dma_semaphore, #tpu.memory_space<semaphore_mem>>)
    %mul3A_16 = arith.constant 6 : i32
    %mul3A_17 = arith.muli %mul3A_6, %mul3A_16 : i32
    %dma_start3A_18 = tpu.memref_slice %arg7[%mul3A_17] : memref<30720xi32, #tpu.memory_space<hbm>> -> memref<1920xi32, #tpu.memory_space<hbm>>
    %dma_start3A_19 = tpu.memref_slice %arg7[%mul3A_17] : memref<30720xi32, #tpu.memory_space<hbm>> -> memref<1920xi32, #tpu.memory_space<hbm>>
    tpu.enqueue_dma source(%dma_start3A_19 : memref<1920xi32, #tpu.memory_space<hbm>>) target(%arg18 : memref<1920xi32, #tpu.memory_space<vmem>>) target_semaphore(%arg22 : memref<!tpu.dma_semaphore, #tpu.memory_space<semaphore_mem>>)
    %mul3A_20 = arith.constant 3 : i32
    %mul3A_21 = arith.muli %mul3A_2, %mul3A_20 : i32
    %dma_start3A_22 = tpu.memref_slice %arg8[%mul3A_21] : memref<30720xi32, #tpu.memory_space<hbm>> -> memref<960xi32, #tpu.memory_space<hbm>>
    %dma_start3A_23 = tpu.memref_slice %arg8[%mul3A_21] : memref<30720xi32, #tpu.memory_space<hbm>> -> memref<960xi32, #tpu.memory_space<hbm>>
    tpu.enqueue_dma source(%dma_start3A_23 : memref<960xi32, #tpu.memory_space<hbm>>) target(%arg20 : memref<960xi32, #tpu.memory_space<vmem>>) target_semaphore(%arg22 : memref<!tpu.dma_semaphore, #tpu.memory_space<semaphore_mem>>)
    %dma_wait3A = tpu.memref_slice %arg2[%mul3A_4] : memref<10240xf32, #tpu.memory_space<hbm>> -> memref<640xf32, #tpu.memory_space<hbm>>
    %dma_wait3A_24 = tpu.memref_slice %arg2[%mul3A_4] : memref<10240xf32, #tpu.memory_space<hbm>> -> memref<640xf32, #tpu.memory_space<hbm>>
    tpu.wait_dma2 semaphore(%arg22 : memref<!tpu.dma_semaphore, #tpu.memory_space<semaphore_mem>>) src(%dma_wait3A_24 : memref<640xf32, #tpu.memory_space<hbm>>) dst(%arg12 : memref<640xf32, #tpu.memory_space<vmem>>)
    %dma_wait3A_25 = tpu.memref_slice %arg3[%mul3A_4] : memref<10240xf32, #tpu.memory_space<hbm>> -> memref<640xf32, #tpu.memory_space<hbm>>
    %dma_wait3A_26 = tpu.memref_slice %arg3[%mul3A_4] : memref<10240xf32, #tpu.memory_space<hbm>> -> memref<640xf32, #tpu.memory_space<hbm>>
    tpu.wait_dma2 semaphore(%arg22 : memref<!tpu.dma_semaphore, #tpu.memory_space<semaphore_mem>>) src(%dma_wait3A_26 : memref<640xf32, #tpu.memory_space<hbm>>) dst(%arg13 : memref<640xf32, #tpu.memory_space<vmem>>)
    %dma_wait3A_27 = tpu.memref_slice %arg4[%mul3A_4] : memref<10240xf32, #tpu.memory_space<hbm>> -> memref<640xf32, #tpu.memory_space<hbm>>
    %dma_wait3A_28 = tpu.memref_slice %arg4[%mul3A_4] : memref<10240xf32, #tpu.memory_space<hbm>> -> memref<640xf32, #tpu.memory_space<hbm>>
    tpu.wait_dma2 semaphore(%arg22 : memref<!tpu.dma_semaphore, #tpu.memory_space<semaphore_mem>>) src(%dma_wait3A_28 : memref<640xf32, #tpu.memory_space<hbm>>) dst(%arg14 : memref<640xf32, #tpu.memory_space<vmem>>)
    %dma_wait3A_29 = tpu.memref_slice %arg5[%mul3A_4] : memref<10240xf32, #tpu.memory_space<hbm>> -> memref<640xf32, #tpu.memory_space<hbm>>
    %dma_wait3A_30 = tpu.memref_slice %arg5[%mul3A_4] : memref<10240xf32, #tpu.memory_space<hbm>> -> memref<640xf32, #tpu.memory_space<hbm>>
    tpu.wait_dma2 semaphore(%arg22 : memref<!tpu.dma_semaphore, #tpu.memory_space<semaphore_mem>>) src(%dma_wait3A_30 : memref<640xf32, #tpu.memory_space<hbm>>) dst(%arg15 : memref<640xf32, #tpu.memory_space<vmem>>)
    %iota3A = tpu.iota {dimensions = array<i32: 0>} : vector<16xi32>
    %scan3A = arith.constant 0 : i32
    %scan3A_31 = arith.constant 40 : i32
    %scan3A_32 = arith.addi %scan3A, %scan3A_31 : i32
    %scan3A_33 = arith.constant 1 : i32
    scf.for %scan3A_96 = %scan3A to %scan3A_32 step %scan3A_33  : i32 {
      %mul3A_97 = arith.constant 1 : i32
      %mul3A_98 = arith.muli %scan3A_96, %mul3A_97 : i32
      %add3A_99 = arith.constant 0 : i32
      %add3A_100 = arith.addi %add3A_99, %mul3A_98 : i32
      %mul3A_101 = arith.constant 16 : i32
      %mul3A_102 = arith.muli %add3A_100, %mul3A_101 : i32
      %get3A = arith.index_cast %mul3A_102 : i32 to index
      %get3A_103 = tpu.vector_load %arg12[%get3A] {strides = array<i32>} : memref<640xf32, #tpu.memory_space<vmem>>, vector<16xf32>,
      %get3A_104 = arith.index_cast %mul3A_102 : i32 to index
      %get3A_105 = tpu.vector_load %arg14[%get3A_104] {strides = array<i32>} : memref<640xf32, #tpu.memory_space<vmem>>, vector<16xf32>,
      %mul3A_106 = arith.mulf %get3A_103, %get3A_105 : vector<16xf32>
      %get3A_107 = arith.index_cast %mul3A_102 : i32 to index
      %get3A_108 = tpu.vector_load %arg13[%get3A_107] {strides = array<i32>} : memref<640xf32, #tpu.memory_space<vmem>>, vector<16xf32>,
      %get3A_109 = arith.index_cast %mul3A_102 : i32 to index
      %get3A_110 = tpu.vector_load %arg15[%get3A_109] {strides = array<i32>} : memref<640xf32, #tpu.memory_space<vmem>>, vector<16xf32>,
      %mul3A_111 = arith.mulf %get3A_108, %get3A_110 : vector<16xf32>
      %sub3A = arith.subf %mul3A_106, %mul3A_111 : vector<16xf32>
      %add3A_112 = arith.addf %mul3A_106, %mul3A_111 : vector<16xf32>
      %div3A = arith.divf %sub3A, %add3A_112 : vector<16xf32>
      %add3A_113 = arith.addi %mul3A_4, %mul3A_102 : i32
      %swap3A = arith.index_cast %add3A_113 : i32 to index
      %swap3A_114 = tpu.vector_load %arg16[%swap3A] {strides = array<i32>} : memref<10240xf32, #tpu.memory_space<vmem>>, vector<16xf32>,
      tpu.vector_store %arg16[%swap3A], %div3A {strides = array<i32>} : memref<10240xf32, #tpu.memory_space<vmem>>, vector<16xf32>,
    }
    %scan3A_34 = arith.constant 40 : i32
    %mul3A_35 = arith.constant 10240 : i32
    %mul3A_36 = arith.muli %arg0, %mul3A_35 : i32
    %add3A_37 = arith.addi %mul3A_36, %mul3A_4 : i32
    "tpu.region"() ({
      %run_scoped3A = tpu.sem_alloc : memref<!tpu.dma_semaphore, #tpu.memory_space<semaphore_mem>>
      %dma_start3A_96 = tpu.memref_slice %arg16[%mul3A_4] : memref<10240xf32, #tpu.memory_space<vmem>> -> memref<640xf32, #tpu.memory_space<vmem>>
      %dma_start3A_97 = tpu.memref_slice %arg10[%add3A_37] : memref<20480xf32, #tpu.memory_space<hbm>> -> memref<640xf32, #tpu.memory_space<hbm>>
      %dma_start3A_98 = tpu.memref_slice %arg10[%add3A_37] : memref<20480xf32, #tpu.memory_space<hbm>> -> memref<640xf32, #tpu.memory_space<hbm>>
      %dma_start3A_99 = tpu.memref_slice %arg16[%mul3A_4] : memref<10240xf32, #tpu.memory_space<vmem>> -> memref<640xf32, #tpu.memory_space<vmem>>
      tpu.enqueue_dma source(%dma_start3A_99 : memref<640xf32, #tpu.memory_space<vmem>>) target(%dma_start3A_98 : memref<640xf32, #tpu.memory_space<hbm>>) target_semaphore(%run_scoped3A : memref<!tpu.dma_semaphore, #tpu.memory_space<semaphore_mem>>)
      %dma_wait3A_100 = tpu.memref_slice %arg16[%mul3A_4] : memref<10240xf32, #tpu.memory_space<vmem>> -> memref<640xf32, #tpu.memory_space<vmem>>
      %dma_wait3A_101 = tpu.memref_slice %arg10[%add3A_37] : memref<20480xf32, #tpu.memory_space<hbm>> -> memref<640xf32, #tpu.memory_space<hbm>>
      %dma_wait3A_102 = tpu.memref_slice %arg10[%add3A_37] : memref<20480xf32, #tpu.memory_space<hbm>> -> memref<640xf32, #tpu.memory_space<hbm>>
      %dma_wait3A_103 = tpu.memref_slice %arg16[%mul3A_4] : memref<10240xf32, #tpu.memory_space<vmem>> -> memref<640xf32, #tpu.memory_space<vmem>>
      tpu.wait_dma2 semaphore(%run_scoped3A : memref<!tpu.dma_semaphore, #tpu.memory_space<semaphore_mem>>) src(%dma_wait3A_103 : memref<640xf32, #tpu.memory_space<vmem>>) dst(%dma_wait3A_102 : memref<640xf32, #tpu.memory_space<hbm>>)
      tpu.yield
    }) : () -> ()
    %barrier3A = arith.constant 0 : index
    tpu.barrier barrier_id(%barrier3A)
    %mul3A_38 = arith.constant 10240 : i32
    %mul3A_39 = arith.muli %arg0, %mul3A_38 : i32
    %dma_start3A_40 = tpu.memref_slice %arg10[%mul3A_39] : memref<20480xf32, #tpu.memory_space<hbm>> -> memref<10240xf32, #tpu.memory_space<hbm>>
    %dma_start3A_41 = tpu.memref_slice %arg10[%mul3A_39] : memref<20480xf32, #tpu.memory_space<hbm>> -> memref<10240xf32, #tpu.memory_space<hbm>>
    tpu.enqueue_dma source(%dma_start3A_41 : memref<10240xf32, #tpu.memory_space<hbm>>) target(%arg16 : memref<10240xf32, #tpu.memory_space<vmem>>) target_semaphore(%arg22 : memref<!tpu.dma_semaphore, #tpu.memory_space<semaphore_mem>>)
    %dma_wait3A_42 = tpu.memref_slice %arg6[%mul3A_6] : memref<5120xf32, #tpu.memory_space<hbm>> -> memref<320xf32, #tpu.memory_space<hbm>>
    %dma_wait3A_43 = tpu.memref_slice %arg6[%mul3A_6] : memref<5120xf32, #tpu.memory_space<hbm>> -> memref<320xf32, #tpu.memory_space<hbm>>
    tpu.wait_dma2 semaphore(%arg22 : memref<!tpu.dma_semaphore, #tpu.memory_space<semaphore_mem>>) src(%dma_wait3A_43 : memref<320xf32, #tpu.memory_space<hbm>>) dst(%arg17 : memref<320xf32, #tpu.memory_space<vmem>>)
    %dma_wait3A_44 = tpu.memref_slice %arg7[%mul3A_17] : memref<30720xi32, #tpu.memory_space<hbm>> -> memref<1920xi32, #tpu.memory_space<hbm>>
    %dma_wait3A_45 = tpu.memref_slice %arg7[%mul3A_17] : memref<30720xi32, #tpu.memory_space<hbm>> -> memref<1920xi32, #tpu.memory_space<hbm>>
    tpu.wait_dma2 semaphore(%arg22 : memref<!tpu.dma_semaphore, #tpu.memory_space<semaphore_mem>>) src(%dma_wait3A_45 : memref<1920xi32, #tpu.memory_space<hbm>>) dst(%arg18 : memref<1920xi32, #tpu.memory_space<vmem>>)
    %dma_wait3A_46 = tpu.memref_slice %arg10[%mul3A_39] : memref<20480xf32, #tpu.memory_space<hbm>> -> memref<10240xf32, #tpu.memory_space<hbm>>
    %dma_wait3A_47 = tpu.memref_slice %arg10[%mul3A_39] : memref<20480xf32, #tpu.memory_space<hbm>> -> memref<10240xf32, #tpu.memory_space<hbm>>
    tpu.wait_dma2 semaphore(%arg22 : memref<!tpu.dma_semaphore, #tpu.memory_space<semaphore_mem>>) src(%dma_wait3A_47 : memref<10240xf32, #tpu.memory_space<hbm>>) dst(%arg16 : memref<10240xf32, #tpu.memory_space<vmem>>)
    %scan3A_48 = arith.constant 0 : i32
    %scan3A_49 = arith.constant 20 : i32
    %scan3A_50 = arith.addi %scan3A_48, %scan3A_49 : i32
    %scan3A_51 = arith.constant 1 : i32
    scf.for %scan3A_96 = %scan3A_48 to %scan3A_50 step %scan3A_51  : i32 {
      %mul3A_97 = arith.constant 1 : i32
      %mul3A_98 = arith.muli %scan3A_96, %mul3A_97 : i32
      %add3A_99 = arith.constant 0 : i32
      %add3A_100 = arith.addi %add3A_99, %mul3A_98 : i32
      %mul3A_101 = arith.constant 16 : i32
      %mul3A_102 = arith.muli %add3A_100, %mul3A_101 : i32
      %add3A_103 = vector.broadcast %mul3A_102 : i32 to vector<16xi32>
      %add3A_104 = arith.addi %add3A_103, %iota3A : vector<16xi32>
      %mul3A_105 = arith.constant 6 : i32
      %mul3A_106 = vector.broadcast %mul3A_105 : i32 to vector<16xi32>
      %mul3A_107 = arith.muli %add3A_104, %mul3A_106 : vector<16xi32>
      %broadcast_in_dim3A = arith.constant 0.000000e+00 : f32
      %broadcast_in_dim3A_108 = vector.broadcast %broadcast_in_dim3A : f32 to vector<16xf32>
      %broadcast_in_dim3A_109 = arith.constant 1.000000e+00 : f32
      %broadcast_in_dim3A_110 = vector.broadcast %broadcast_in_dim3A_109 : f32 to vector<16xf32>
      %add3A_111 = arith.constant 0 : i32
      %add3A_112 = vector.broadcast %add3A_111 : i32 to vector<16xi32>
      %add3A_113 = arith.addi %mul3A_107, %add3A_112 : vector<16xi32>
      %gather3A = tpu.vector_load_idx %arg18[%add3A_113] : memref<1920xi32, #tpu.memory_space<vmem>>[vector<16xi32>], vector<16xi32>,
      %gather3A_114 = tpu.vector_load_idx %arg16[%gather3A] : memref<10240xf32, #tpu.memory_space<vmem>>[vector<16xi32>], vector<16xf32>,
      %eq3A = arith.constant 0.000000e+00 : f32
      %eq3A_115 = vector.broadcast %eq3A : f32 to vector<16xf32>
      %eq3A_116 = arith.cmpf oeq, %gather3A_114, %eq3A_115 : vector<16xf32>
      %jit3A = arith.constant 1.000000e+00 : f32
      %jit3A_117 = arith.constant 0.000000e+00 : f32
      %broadcast_in_dim3A_118 = vector.broadcast %jit3A : f32 to vector<16xf32>
      %broadcast_in_dim3A_119 = vector.broadcast %jit3A_117 : f32 to vector<16xf32>
      %select_n3A = arith.select %eq3A_116, %broadcast_in_dim3A_118, %broadcast_in_dim3A_119 : vector<16xi1>, vector<16xf32>
      %add3A_120 = arith.addf %broadcast_in_dim3A_108, %select_n3A : vector<16xf32>
      %jit3A_121 = arith.constant 1.000000e+00 : f32
      %broadcast_in_dim3A_122 = vector.broadcast %jit3A_121 : f32 to vector<16xf32>
      %select_n3A_123 = arith.select %eq3A_116, %broadcast_in_dim3A_122, %gather3A_114 : vector<16xi1>, vector<16xf32>
      %mul3A_124 = arith.mulf %broadcast_in_dim3A_110, %select_n3A_123 : vector<16xf32>
      %add3A_125 = arith.constant 1 : i32
      %add3A_126 = vector.broadcast %add3A_125 : i32 to vector<16xi32>
      %add3A_127 = arith.addi %mul3A_107, %add3A_126 : vector<16xi32>
      %gather3A_128 = tpu.vector_load_idx %arg18[%add3A_127] : memref<1920xi32, #tpu.memory_space<vmem>>[vector<16xi32>], vector<16xi32>,
      %gather3A_129 = tpu.vector_load_idx %arg16[%gather3A_128] : memref<10240xf32, #tpu.memory_space<vmem>>[vector<16xi32>], vector<16xf32>,
      %eq3A_130 = arith.constant 0.000000e+00 : f32
      %eq3A_131 = vector.broadcast %eq3A_130 : f32 to vector<16xf32>
      %eq3A_132 = arith.cmpf oeq, %gather3A_129, %eq3A_131 : vector<16xf32>
      %jit3A_133 = arith.constant 1.000000e+00 : f32
      %jit3A_134 = arith.constant 0.000000e+00 : f32
      %broadcast_in_dim3A_135 = vector.broadcast %jit3A_133 : f32 to vector<16xf32>
      %broadcast_in_dim3A_136 = vector.broadcast %jit3A_134 : f32 to vector<16xf32>
      %select_n3A_137 = arith.select %eq3A_132, %broadcast_in_dim3A_135, %broadcast_in_dim3A_136 : vector<16xi1>, vector<16xf32>
      %add3A_138 = arith.addf %add3A_120, %select_n3A_137 : vector<16xf32>
      %jit3A_139 = arith.constant 1.000000e+00 : f32
      %broadcast_in_dim3A_140 = vector.broadcast %jit3A_139 : f32 to vector<16xf32>
      %select_n3A_141 = arith.select %eq3A_132, %broadcast_in_dim3A_140, %gather3A_129 : vector<16xi1>, vector<16xf32>
      %mul3A_142 = arith.mulf %mul3A_124, %select_n3A_141 : vector<16xf32>
      %add3A_143 = arith.constant 2 : i32
      %add3A_144 = vector.broadcast %add3A_143 : i32 to vector<16xi32>
      %add3A_145 = arith.addi %mul3A_107, %add3A_144 : vector<16xi32>
      %gather3A_146 = tpu.vector_load_idx %arg18[%add3A_145] : memref<1920xi32, #tpu.memory_space<vmem>>[vector<16xi32>], vector<16xi32>,
      %gather3A_147 = tpu.vector_load_idx %arg16[%gather3A_146] : memref<10240xf32, #tpu.memory_space<vmem>>[vector<16xi32>], vector<16xf32>,
      %eq3A_148 = arith.constant 0.000000e+00 : f32
      %eq3A_149 = vector.broadcast %eq3A_148 : f32 to vector<16xf32>
      %eq3A_150 = arith.cmpf oeq, %gather3A_147, %eq3A_149 : vector<16xf32>
      %jit3A_151 = arith.constant 1.000000e+00 : f32
      %jit3A_152 = arith.constant 0.000000e+00 : f32
      %broadcast_in_dim3A_153 = vector.broadcast %jit3A_151 : f32 to vector<16xf32>
      %broadcast_in_dim3A_154 = vector.broadcast %jit3A_152 : f32 to vector<16xf32>
      %select_n3A_155 = arith.select %eq3A_150, %broadcast_in_dim3A_153, %broadcast_in_dim3A_154 : vector<16xi1>, vector<16xf32>
      %add3A_156 = arith.addf %add3A_138, %select_n3A_155 : vector<16xf32>
      %jit3A_157 = arith.constant 1.000000e+00 : f32
      %broadcast_in_dim3A_158 = vector.broadcast %jit3A_157 : f32 to vector<16xf32>
      %select_n3A_159 = arith.select %eq3A_150, %broadcast_in_dim3A_158, %gather3A_147 : vector<16xi1>, vector<16xf32>
      %mul3A_160 = arith.mulf %mul3A_142, %select_n3A_159 : vector<16xf32>
      %add3A_161 = arith.constant 3 : i32
      %add3A_162 = vector.broadcast %add3A_161 : i32 to vector<16xi32>
      %add3A_163 = arith.addi %mul3A_107, %add3A_162 : vector<16xi32>
      %gather3A_164 = tpu.vector_load_idx %arg18[%add3A_163] : memref<1920xi32, #tpu.memory_space<vmem>>[vector<16xi32>], vector<16xi32>,
      %gather3A_165 = tpu.vector_load_idx %arg16[%gather3A_164] : memref<10240xf32, #tpu.memory_space<vmem>>[vector<16xi32>], vector<16xf32>,
      %eq3A_166 = arith.constant 0.000000e+00 : f32
      %eq3A_167 = vector.broadcast %eq3A_166 : f32 to vector<16xf32>
      %eq3A_168 = arith.cmpf oeq, %gather3A_165, %eq3A_167 : vector<16xf32>
      %jit3A_169 = arith.constant 1.000000e+00 : f32
      %jit3A_170 = arith.constant 0.000000e+00 : f32
      %broadcast_in_dim3A_171 = vector.broadcast %jit3A_169 : f32 to vector<16xf32>
      %broadcast_in_dim3A_172 = vector.broadcast %jit3A_170 : f32 to vector<16xf32>
      %select_n3A_173 = arith.select %eq3A_168, %broadcast_in_dim3A_171, %broadcast_in_dim3A_172 : vector<16xi1>, vector<16xf32>
      %add3A_174 = arith.addf %add3A_156, %select_n3A_173 : vector<16xf32>
      %jit3A_175 = arith.constant 1.000000e+00 : f32
      %broadcast_in_dim3A_176 = vector.broadcast %jit3A_175 : f32 to vector<16xf32>
      %select_n3A_177 = arith.select %eq3A_168, %broadcast_in_dim3A_176, %gather3A_165 : vector<16xi1>, vector<16xf32>
      %mul3A_178 = arith.mulf %mul3A_160, %select_n3A_177 : vector<16xf32>
      %add3A_179 = arith.constant 4 : i32
      %add3A_180 = vector.broadcast %add3A_179 : i32 to vector<16xi32>
      %add3A_181 = arith.addi %mul3A_107, %add3A_180 : vector<16xi32>
      %gather3A_182 = tpu.vector_load_idx %arg18[%add3A_181] : memref<1920xi32, #tpu.memory_space<vmem>>[vector<16xi32>], vector<16xi32>,
      %gather3A_183 = tpu.vector_load_idx %arg16[%gather3A_182] : memref<10240xf32, #tpu.memory_space<vmem>>[vector<16xi32>], vector<16xf32>,
      %eq3A_184 = arith.constant 0.000000e+00 : f32
      %eq3A_185 = vector.broadcast %eq3A_184 : f32 to vector<16xf32>
      %eq3A_186 = arith.cmpf oeq, %gather3A_183, %eq3A_185 : vector<16xf32>
      %jit3A_187 = arith.constant 1.000000e+00 : f32
      %jit3A_188 = arith.constant 0.000000e+00 : f32
      %broadcast_in_dim3A_189 = vector.broadcast %jit3A_187 : f32 to vector<16xf32>
      %broadcast_in_dim3A_190 = vector.broadcast %jit3A_188 : f32 to vector<16xf32>
      %select_n3A_191 = arith.select %eq3A_186, %broadcast_in_dim3A_189, %broadcast_in_dim3A_190 : vector<16xi1>, vector<16xf32>
      %add3A_192 = arith.addf %add3A_174, %select_n3A_191 : vector<16xf32>
      %jit3A_193 = arith.constant 1.000000e+00 : f32
      %broadcast_in_dim3A_194 = vector.broadcast %jit3A_193 : f32 to vector<16xf32>
      %select_n3A_195 = arith.select %eq3A_186, %broadcast_in_dim3A_194, %gather3A_183 : vector<16xi1>, vector<16xf32>
      %mul3A_196 = arith.mulf %mul3A_178, %select_n3A_195 : vector<16xf32>
      %add3A_197 = arith.constant 5 : i32
      %add3A_198 = vector.broadcast %add3A_197 : i32 to vector<16xi32>
      %add3A_199 = arith.addi %mul3A_107, %add3A_198 : vector<16xi32>
      %gather3A_200 = tpu.vector_load_idx %arg18[%add3A_199] : memref<1920xi32, #tpu.memory_space<vmem>>[vector<16xi32>], vector<16xi32>,
      %gather3A_201 = tpu.vector_load_idx %arg16[%gather3A_200] : memref<10240xf32, #tpu.memory_space<vmem>>[vector<16xi32>], vector<16xf32>,
      %eq3A_202 = arith.constant 0.000000e+00 : f32
      %eq3A_203 = vector.broadcast %eq3A_202 : f32 to vector<16xf32>
      %eq3A_204 = arith.cmpf oeq, %gather3A_201, %eq3A_203 : vector<16xf32>
      %jit3A_205 = arith.constant 1.000000e+00 : f32
      %jit3A_206 = arith.constant 0.000000e+00 : f32
      %broadcast_in_dim3A_207 = vector.broadcast %jit3A_205 : f32 to vector<16xf32>
      %broadcast_in_dim3A_208 = vector.broadcast %jit3A_206 : f32 to vector<16xf32>
      %select_n3A_209 = arith.select %eq3A_204, %broadcast_in_dim3A_207, %broadcast_in_dim3A_208 : vector<16xi1>, vector<16xf32>
      %add3A_210 = arith.addf %add3A_192, %select_n3A_209 : vector<16xf32>
      %jit3A_211 = arith.constant 1.000000e+00 : f32
      %broadcast_in_dim3A_212 = vector.broadcast %jit3A_211 : f32 to vector<16xf32>
      %select_n3A_213 = arith.select %eq3A_204, %broadcast_in_dim3A_212, %gather3A_201 : vector<16xi1>, vector<16xf32>
      %mul3A_214 = arith.mulf %mul3A_196, %select_n3A_213 : vector<16xf32>
      %get3A = arith.index_cast %mul3A_102 : i32 to index
      %get3A_215 = tpu.vector_load %arg17[%get3A] {strides = array<i32>} : memref<320xf32, #tpu.memory_space<vmem>>, vector<16xf32>,
      %mul3A_216 = arith.constant 2.000000e+00 : f32
      %mul3A_217 = vector.broadcast %mul3A_216 : f32 to vector<16xf32>
      %mul3A_218 = arith.mulf %mul3A_217, %get3A_215 : vector<16xf32>
      %sub3A = arith.constant 1.000000e+00 : f32
      %sub3A_219 = vector.broadcast %sub3A : f32 to vector<16xf32>
      %sub3A_220 = arith.subf %sub3A_219, %mul3A_218 : vector<16xf32>
      %mul3A_221 = arith.mulf %sub3A_220, %mul3A_214 : vector<16xf32>
      %ge3A = arith.constant 2.000000e+00 : f32
      %ge3A_222 = vector.broadcast %ge3A : f32 to vector<16xf32>
      %ge3A_223 = arith.cmpf oge, %add3A_210, %ge3A_222 : vector<16xf32>
      %eq3A_224 = arith.constant 1.000000e+00 : f32
      %eq3A_225 = vector.broadcast %eq3A_224 : f32 to vector<16xf32>
      %eq3A_226 = arith.cmpf oeq, %add3A_210, %eq3A_225 : vector<16xf32>
      %add3A_227 = arith.constant 4.000000e+00 : f32
      %add3A_228 = vector.broadcast %add3A_227 : f32 to vector<16xf32>
      %add3A_229 = arith.addf %mul3A_221, %add3A_228 : vector<16xf32>
      %select_n3A_230 = arith.select %eq3A_226, %add3A_229, %mul3A_221 : vector<16xi1>, vector<16xf32>
      %jit3A_231 = arith.constant 8.000000e+00 : f32
      %broadcast_in_dim3A_232 = vector.broadcast %jit3A_231 : f32 to vector<16xf32>
      %select_n3A_233 = arith.select %ge3A_223, %broadcast_in_dim3A_232, %select_n3A_230 : vector<16xi1>, vector<16xf32>
      %add3A_234 = arith.addi %mul3A_6, %mul3A_102 : i32
      %swap3A = arith.index_cast %add3A_234 : i32 to index
      %swap3A_235 = tpu.vector_load %arg19[%swap3A] {strides = array<i32>} : memref<5120xf32, #tpu.memory_space<vmem>>, vector<16xf32>,
      tpu.vector_store %arg19[%swap3A], %select_n3A_233 {strides = array<i32>} : memref<5120xf32, #tpu.memory_space<vmem>>, vector<16xf32>,
    }
    %scan3A_52 = arith.constant 20 : i32
    %mul3A_53 = arith.constant 5120 : i32
    %mul3A_54 = arith.muli %arg0, %mul3A_53 : i32
    %add3A_55 = arith.addi %mul3A_54, %mul3A_6 : i32
    "tpu.region"() ({
      %run_scoped3A = tpu.sem_alloc : memref<!tpu.dma_semaphore, #tpu.memory_space<semaphore_mem>>
      %dma_start3A_96 = tpu.memref_slice %arg19[%mul3A_6] : memref<5120xf32, #tpu.memory_space<vmem>> -> memref<320xf32, #tpu.memory_space<vmem>>
      %dma_start3A_97 = tpu.memref_slice %arg11[%add3A_55] : memref<10240xf32, #tpu.memory_space<hbm>> -> memref<320xf32, #tpu.memory_space<hbm>>
      %dma_start3A_98 = tpu.memref_slice %arg11[%add3A_55] : memref<10240xf32, #tpu.memory_space<hbm>> -> memref<320xf32, #tpu.memory_space<hbm>>
      %dma_start3A_99 = tpu.memref_slice %arg19[%mul3A_6] : memref<5120xf32, #tpu.memory_space<vmem>> -> memref<320xf32, #tpu.memory_space<vmem>>
      tpu.enqueue_dma source(%dma_start3A_99 : memref<320xf32, #tpu.memory_space<vmem>>) target(%dma_start3A_98 : memref<320xf32, #tpu.memory_space<hbm>>) target_semaphore(%run_scoped3A : memref<!tpu.dma_semaphore, #tpu.memory_space<semaphore_mem>>)
      %dma_wait3A_100 = tpu.memref_slice %arg19[%mul3A_6] : memref<5120xf32, #tpu.memory_space<vmem>> -> memref<320xf32, #tpu.memory_space<vmem>>
      %dma_wait3A_101 = tpu.memref_slice %arg11[%add3A_55] : memref<10240xf32, #tpu.memory_space<hbm>> -> memref<320xf32, #tpu.memory_space<hbm>>
      %dma_wait3A_102 = tpu.memref_slice %arg11[%add3A_55] : memref<10240xf32, #tpu.memory_space<hbm>> -> memref<320xf32, #tpu.memory_space<hbm>>
      %dma_wait3A_103 = tpu.memref_slice %arg19[%mul3A_6] : memref<5120xf32, #tpu.memory_space<vmem>> -> memref<320xf32, #tpu.memory_space<vmem>>
      tpu.wait_dma2 semaphore(%run_scoped3A : memref<!tpu.dma_semaphore, #tpu.memory_space<semaphore_mem>>) src(%dma_wait3A_103 : memref<320xf32, #tpu.memory_space<vmem>>) dst(%dma_wait3A_102 : memref<320xf32, #tpu.memory_space<hbm>>)
      tpu.yield
    }) : () -> ()
    %barrier3A_56 = arith.constant 0 : index
    tpu.barrier barrier_id(%barrier3A_56)
    %mul3A_57 = arith.constant 5120 : i32
    %mul3A_58 = arith.muli %arg0, %mul3A_57 : i32
    %dma_start3A_59 = tpu.memref_slice %arg11[%mul3A_58] : memref<10240xf32, #tpu.memory_space<hbm>> -> memref<5120xf32, #tpu.memory_space<hbm>>
    %dma_start3A_60 = tpu.memref_slice %arg11[%mul3A_58] : memref<10240xf32, #tpu.memory_space<hbm>> -> memref<5120xf32, #tpu.memory_space<hbm>>
    tpu.enqueue_dma source(%dma_start3A_60 : memref<5120xf32, #tpu.memory_space<hbm>>) target(%arg19 : memref<5120xf32, #tpu.memory_space<vmem>>) target_semaphore(%arg22 : memref<!tpu.dma_semaphore, #tpu.memory_space<semaphore_mem>>)
    %dma_wait3A_61 = tpu.memref_slice %arg8[%mul3A_21] : memref<30720xi32, #tpu.memory_space<hbm>> -> memref<960xi32, #tpu.memory_space<hbm>>
    %dma_wait3A_62 = tpu.memref_slice %arg8[%mul3A_21] : memref<30720xi32, #tpu.memory_space<hbm>> -> memref<960xi32, #tpu.memory_space<hbm>>
    tpu.wait_dma2 semaphore(%arg22 : memref<!tpu.dma_semaphore, #tpu.memory_space<semaphore_mem>>) src(%dma_wait3A_62 : memref<960xi32, #tpu.memory_space<hbm>>) dst(%arg20 : memref<960xi32, #tpu.memory_space<vmem>>)
    %dma_wait3A_63 = tpu.memref_slice %arg11[%mul3A_58] : memref<10240xf32, #tpu.memory_space<hbm>> -> memref<5120xf32, #tpu.memory_space<hbm>>
    %dma_wait3A_64 = tpu.memref_slice %arg11[%mul3A_58] : memref<10240xf32, #tpu.memory_space<hbm>> -> memref<5120xf32, #tpu.memory_space<hbm>>
    tpu.wait_dma2 semaphore(%arg22 : memref<!tpu.dma_semaphore, #tpu.memory_space<semaphore_mem>>) src(%dma_wait3A_64 : memref<5120xf32, #tpu.memory_space<hbm>>) dst(%arg19 : memref<5120xf32, #tpu.memory_space<vmem>>)
    %scan3A_65 = arith.constant 0 : i32
    %scan3A_66 = arith.constant 20 : i32
    %scan3A_67 = arith.addi %scan3A_65, %scan3A_66 : i32
    %scan3A_68 = arith.constant 1 : i32
    scf.for %scan3A_96 = %scan3A_65 to %scan3A_67 step %scan3A_68  : i32 {
      %mul3A_97 = arith.constant 1 : i32
      %mul3A_98 = arith.muli %scan3A_96, %mul3A_97 : i32
      %add3A_99 = arith.constant 0 : i32
      %add3A_100 = arith.addi %add3A_99, %mul3A_98 : i32
      %mul3A_101 = arith.constant 16 : i32
      %mul3A_102 = arith.muli %add3A_100, %mul3A_101 : i32
      %add3A_103 = vector.broadcast %mul3A_102 : i32 to vector<16xi32>
      %add3A_104 = arith.addi %add3A_103, %iota3A : vector<16xi32>
      %add3A_105 = vector.broadcast %mul3A_2 : i32 to vector<16xi32>
      %add3A_106 = arith.addi %add3A_105, %add3A_104 : vector<16xi32>
      %gather3A = tpu.vector_load_idx %arg16[%add3A_106] : memref<10240xf32, #tpu.memory_space<vmem>>[vector<16xi32>], vector<16xf32>,
      %mul3A_107 = arith.constant 3 : i32
      %mul3A_108 = vector.broadcast %mul3A_107 : i32 to vector<16xi32>
      %mul3A_109 = arith.muli %add3A_104, %mul3A_108 : vector<16xi32>
      %add3A_110 = arith.constant 0 : i32
      %add3A_111 = vector.broadcast %add3A_110 : i32 to vector<16xi32>
      %add3A_112 = arith.addi %mul3A_109, %add3A_111 : vector<16xi32>
      %gather3A_113 = tpu.vector_load_idx %arg20[%add3A_112] : memref<960xi32, #tpu.memory_space<vmem>>[vector<16xi32>], vector<16xi32>,
      %gather3A_114 = tpu.vector_load_idx %arg19[%gather3A_113] : memref<5120xf32, #tpu.memory_space<vmem>>[vector<16xi32>], vector<16xf32>,
      %eq3A = arith.constant 0.000000e+00 : f32
      %eq3A_115 = vector.broadcast %eq3A : f32 to vector<16xf32>
      %eq3A_116 = arith.cmpf oeq, %gather3A, %eq3A_115 : vector<16xf32>
      %sub3A = arith.constant 4.000000e+00 : f32
      %sub3A_117 = vector.broadcast %sub3A : f32 to vector<16xf32>
      %sub3A_118 = arith.subf %gather3A_114, %sub3A_117 : vector<16xf32>
      %jit3A = arith.constant 0.000000e+00 : f32
      %broadcast_in_dim3A = vector.broadcast %jit3A : f32 to vector<16xf32>
      %select_n3A = arith.select %eq3A_116, %sub3A_118, %broadcast_in_dim3A : vector<16xi1>, vector<16xf32>
      %abs3A = math.absf %gather3A_114 : vector<16xf32>
      %lt3A = arith.constant 2.000000e+00 : f32
      %lt3A_119 = vector.broadcast %lt3A : f32 to vector<16xf32>
      %lt3A_120 = arith.cmpf olt, %abs3A, %lt3A_119 : vector<16xf32>
      %div3A = arith.divf %gather3A_114, %gather3A : vector<16xf32>
      %lt3A_121 = arith.constant 6.000000e+00 : f32
      %lt3A_122 = vector.broadcast %lt3A_121 : f32 to vector<16xf32>
      %lt3A_123 = arith.cmpf olt, %gather3A_114, %lt3A_122 : vector<16xf32>
      %jit3A_124 = arith.constant 0.000000e+00 : f32
      %broadcast_in_dim3A_125 = vector.broadcast %jit3A_124 : f32 to vector<16xf32>
      %select_n3A_126 = arith.select %lt3A_123, %select_n3A, %broadcast_in_dim3A_125 : vector<16xi1>, vector<16xf32>
      %select_n3A_127 = arith.select %lt3A_120, %div3A, %select_n3A_126 : vector<16xi1>, vector<16xf32>
      %mul3A_128 = arith.constant 3 : i32
      %mul3A_129 = vector.broadcast %mul3A_128 : i32 to vector<16xi32>
      %mul3A_130 = arith.muli %add3A_104, %mul3A_129 : vector<16xi32>
      %add3A_131 = arith.constant 1 : i32
      %add3A_132 = vector.broadcast %add3A_131 : i32 to vector<16xi32>
      %add3A_133 = arith.addi %mul3A_130, %add3A_132 : vector<16xi32>
      %gather3A_134 = tpu.vector_load_idx %arg20[%add3A_133] : memref<960xi32, #tpu.memory_space<vmem>>[vector<16xi32>], vector<16xi32>,
      %gather3A_135 = tpu.vector_load_idx %arg19[%gather3A_134] : memref<5120xf32, #tpu.memory_space<vmem>>[vector<16xi32>], vector<16xf32>,
      %eq3A_136 = arith.constant 0.000000e+00 : f32
      %eq3A_137 = vector.broadcast %eq3A_136 : f32 to vector<16xf32>
      %eq3A_138 = arith.cmpf oeq, %gather3A, %eq3A_137 : vector<16xf32>
      %sub3A_139 = arith.constant 4.000000e+00 : f32
      %sub3A_140 = vector.broadcast %sub3A_139 : f32 to vector<16xf32>
      %sub3A_141 = arith.subf %gather3A_135, %sub3A_140 : vector<16xf32>
      %jit3A_142 = arith.constant 0.000000e+00 : f32
      %broadcast_in_dim3A_143 = vector.broadcast %jit3A_142 : f32 to vector<16xf32>
      %select_n3A_144 = arith.select %eq3A_138, %sub3A_141, %broadcast_in_dim3A_143 : vector<16xi1>, vector<16xf32>
      %abs3A_145 = math.absf %gather3A_135 : vector<16xf32>
      %lt3A_146 = arith.constant 2.000000e+00 : f32
      %lt3A_147 = vector.broadcast %lt3A_146 : f32 to vector<16xf32>
      %lt3A_148 = arith.cmpf olt, %abs3A_145, %lt3A_147 : vector<16xf32>
      %div3A_149 = arith.divf %gather3A_135, %gather3A : vector<16xf32>
      %lt3A_150 = arith.constant 6.000000e+00 : f32
      %lt3A_151 = vector.broadcast %lt3A_150 : f32 to vector<16xf32>
      %lt3A_152 = arith.cmpf olt, %gather3A_135, %lt3A_151 : vector<16xf32>
      %jit3A_153 = arith.constant 0.000000e+00 : f32
      %broadcast_in_dim3A_154 = vector.broadcast %jit3A_153 : f32 to vector<16xf32>
      %select_n3A_155 = arith.select %lt3A_152, %select_n3A_144, %broadcast_in_dim3A_154 : vector<16xi1>, vector<16xf32>
      %select_n3A_156 = arith.select %lt3A_148, %div3A_149, %select_n3A_155 : vector<16xi1>, vector<16xf32>
      %mul3A_157 = arith.constant 3 : i32
      %mul3A_158 = vector.broadcast %mul3A_157 : i32 to vector<16xi32>
      %mul3A_159 = arith.muli %add3A_104, %mul3A_158 : vector<16xi32>
      %add3A_160 = arith.constant 2 : i32
      %add3A_161 = vector.broadcast %add3A_160 : i32 to vector<16xi32>
      %add3A_162 = arith.addi %mul3A_159, %add3A_161 : vector<16xi32>
      %gather3A_163 = tpu.vector_load_idx %arg20[%add3A_162] : memref<960xi32, #tpu.memory_space<vmem>>[vector<16xi32>], vector<16xi32>,
      %gather3A_164 = tpu.vector_load_idx %arg19[%gather3A_163] : memref<5120xf32, #tpu.memory_space<vmem>>[vector<16xi32>], vector<16xf32>,
      %eq3A_165 = arith.constant 0.000000e+00 : f32
      %eq3A_166 = vector.broadcast %eq3A_165 : f32 to vector<16xf32>
      %eq3A_167 = arith.cmpf oeq, %gather3A, %eq3A_166 : vector<16xf32>
      %sub3A_168 = arith.constant 4.000000e+00 : f32
      %sub3A_169 = vector.broadcast %sub3A_168 : f32 to vector<16xf32>
      %sub3A_170 = arith.subf %gather3A_164, %sub3A_169 : vector<16xf32>
      %jit3A_171 = arith.constant 0.000000e+00 : f32
      %broadcast_in_dim3A_172 = vector.broadcast %jit3A_171 : f32 to vector<16xf32>
      %select_n3A_173 = arith.select %eq3A_167, %sub3A_170, %broadcast_in_dim3A_172 : vector<16xi1>, vector<16xf32>
      %abs3A_174 = math.absf %gather3A_164 : vector<16xf32>
      %lt3A_175 = arith.constant 2.000000e+00 : f32
      %lt3A_176 = vector.broadcast %lt3A_175 : f32 to vector<16xf32>
      %lt3A_177 = arith.cmpf olt, %abs3A_174, %lt3A_176 : vector<16xf32>
      %div3A_178 = arith.divf %gather3A_164, %gather3A : vector<16xf32>
      %lt3A_179 = arith.constant 6.000000e+00 : f32
      %lt3A_180 = vector.broadcast %lt3A_179 : f32 to vector<16xf32>
      %lt3A_181 = arith.cmpf olt, %gather3A_164, %lt3A_180 : vector<16xf32>
      %jit3A_182 = arith.constant 0.000000e+00 : f32
      %broadcast_in_dim3A_183 = vector.broadcast %jit3A_182 : f32 to vector<16xf32>
      %select_n3A_184 = arith.select %lt3A_181, %select_n3A_173, %broadcast_in_dim3A_183 : vector<16xi1>, vector<16xf32>
      %select_n3A_185 = arith.select %lt3A_177, %div3A_178, %select_n3A_184 : vector<16xi1>, vector<16xf32>
      %add3A_186 = arith.addf %select_n3A_127, %select_n3A_156 : vector<16xf32>
      %add3A_187 = arith.addf %add3A_186, %select_n3A_185 : vector<16xf32>
      %mul3A_188 = arith.mulf %select_n3A_127, %select_n3A_156 : vector<16xf32>
      %mul3A_189 = arith.mulf %select_n3A_127, %select_n3A_185 : vector<16xf32>
      %add3A_190 = arith.addf %mul3A_188, %mul3A_189 : vector<16xf32>
      %mul3A_191 = arith.mulf %select_n3A_156, %select_n3A_185 : vector<16xf32>
      %add3A_192 = arith.addf %add3A_190, %mul3A_191 : vector<16xf32>
      %mul3A_193 = arith.mulf %select_n3A_127, %select_n3A_156 : vector<16xf32>
      %mul3A_194 = arith.mulf %mul3A_193, %select_n3A_185 : vector<16xf32>
      %add3A_195 = arith.addf %add3A_187, %mul3A_194 : vector<16xf32>
      %add3A_196 = arith.constant 1.000000e+00 : f32
      %add3A_197 = vector.broadcast %add3A_196 : f32 to vector<16xf32>
      %add3A_198 = arith.addf %add3A_197, %add3A_192 : vector<16xf32>
      %div3A_199 = arith.divf %add3A_195, %add3A_198 : vector<16xf32>
      %mul3A_200 = arith.constant 5.000000e-01 : f32
      %mul3A_201 = vector.broadcast %mul3A_200 : f32 to vector<16xf32>
      %mul3A_202 = arith.mulf %mul3A_201, %div3A_199 : vector<16xf32>
      %add3A_203 = arith.constant 5.000000e-01 : f32
      %add3A_204 = vector.broadcast %add3A_203 : f32 to vector<16xf32>
      %add3A_205 = arith.addf %add3A_204, %mul3A_202 : vector<16xf32>
      %swap3A = arith.index_cast %mul3A_102 : i32 to index
      %swap3A_206 = tpu.vector_load %arg21[%swap3A] {strides = array<i32>} : memref<640xf32, #tpu.memory_space<vmem>>, vector<16xf32>,
      tpu.vector_store %arg21[%swap3A], %add3A_205 {strides = array<i32>} : memref<640xf32, #tpu.memory_space<vmem>>, vector<16xf32>,
      %mul3A_207 = arith.constant 5.000000e-01 : f32
      %mul3A_208 = vector.broadcast %mul3A_207 : f32 to vector<16xf32>
      %mul3A_209 = arith.mulf %mul3A_208, %div3A_199 : vector<16xf32>
      %sub3A_210 = arith.constant 5.000000e-01 : f32
      %sub3A_211 = vector.broadcast %sub3A_210 : f32 to vector<16xf32>
      %sub3A_212 = arith.subf %sub3A_211, %mul3A_209 : vector<16xf32>
      %add3A_213 = arith.constant 320 : i32
      %add3A_214 = arith.addi %add3A_213, %mul3A_102 : i32
      %swap3A_215 = arith.index_cast %add3A_214 : i32 to index
      %swap3A_216 = tpu.vector_load %arg21[%swap3A_215] {strides = array<i32>} : memref<640xf32, #tpu.memory_space<vmem>>, vector<16xf32>,
      tpu.vector_store %arg21[%swap3A_215], %sub3A_212 {strides = array<i32>} : memref<640xf32, #tpu.memory_space<vmem>>, vector<16xf32>,
    }
    %scan3A_69 = arith.constant 20 : i32
    %dma_start3A_70 = arith.constant 0 : i32
    %dma_start3A_71 = tpu.memref_slice %arg21[%dma_start3A_70] : memref<640xf32, #tpu.memory_space<vmem>> -> memref<320xf32, #tpu.memory_space<vmem>>
    %dma_start3A_72 = tpu.memref_slice %arg9[%mul3A_2] : memref<20480xf32, #tpu.memory_space<hbm>> -> memref<320xf32, #tpu.memory_space<hbm>>
    %dma_start3A_73 = tpu.memref_slice %arg9[%mul3A_2] : memref<20480xf32, #tpu.memory_space<hbm>> -> memref<320xf32, #tpu.memory_space<hbm>>
    %dma_start3A_74 = arith.constant 0 : i32
    %dma_start3A_75 = tpu.memref_slice %arg21[%dma_start3A_74] : memref<640xf32, #tpu.memory_space<vmem>> -> memref<320xf32, #tpu.memory_space<vmem>>
    tpu.enqueue_dma source(%dma_start3A_75 : memref<320xf32, #tpu.memory_space<vmem>>) target(%dma_start3A_73 : memref<320xf32, #tpu.memory_space<hbm>>) target_semaphore(%arg22 : memref<!tpu.dma_semaphore, #tpu.memory_space<semaphore_mem>>)
    %add3A_76 = arith.constant 10240 : i32
    %add3A_77 = arith.addi %add3A_76, %mul3A_2 : i32
    %dma_start3A_78 = arith.constant 320 : i32
    %dma_start3A_79 = tpu.memref_slice %arg21[%dma_start3A_78] : memref<640xf32, #tpu.memory_space<vmem>> -> memref<320xf32, #tpu.memory_space<vmem>>
    %dma_start3A_80 = tpu.memref_slice %arg9[%add3A_77] : memref<20480xf32, #tpu.memory_space<hbm>> -> memref<320xf32, #tpu.memory_space<hbm>>
    %dma_start3A_81 = tpu.memref_slice %arg9[%add3A_77] : memref<20480xf32, #tpu.memory_space<hbm>> -> memref<320xf32, #tpu.memory_space<hbm>>
    %dma_start3A_82 = arith.constant 320 : i32
    %dma_start3A_83 = tpu.memref_slice %arg21[%dma_start3A_82] : memref<640xf32, #tpu.memory_space<vmem>> -> memref<320xf32, #tpu.memory_space<vmem>>
    tpu.enqueue_dma source(%dma_start3A_83 : memref<320xf32, #tpu.memory_space<vmem>>) target(%dma_start3A_81 : memref<320xf32, #tpu.memory_space<hbm>>) target_semaphore(%arg22 : memref<!tpu.dma_semaphore, #tpu.memory_space<semaphore_mem>>)
    %dma_wait3A_84 = arith.constant 0 : i32
    %dma_wait3A_85 = tpu.memref_slice %arg21[%dma_wait3A_84] : memref<640xf32, #tpu.memory_space<vmem>> -> memref<320xf32, #tpu.memory_space<vmem>>
    %dma_wait3A_86 = tpu.memref_slice %arg9[%mul3A_2] : memref<20480xf32, #tpu.memory_space<hbm>> -> memref<320xf32, #tpu.memory_space<hbm>>
    %dma_wait3A_87 = tpu.memref_slice %arg9[%mul3A_2] : memref<20480xf32, #tpu.memory_space<hbm>> -> memref<320xf32, #tpu.memory_space<hbm>>
    %dma_wait3A_88 = arith.constant 0 : i32
    %dma_wait3A_89 = tpu.memref_slice %arg21[%dma_wait3A_88] : memref<640xf32, #tpu.memory_space<vmem>> -> memref<320xf32, #tpu.memory_space<vmem>>
    tpu.wait_dma2 semaphore(%arg22 : memref<!tpu.dma_semaphore, #tpu.memory_space<semaphore_mem>>) src(%dma_wait3A_89 : memref<320xf32, #tpu.memory_space<vmem>>) dst(%dma_wait3A_87 : memref<320xf32, #tpu.memory_space<hbm>>)
    %dma_wait3A_90 = arith.constant 320 : i32
    %dma_wait3A_91 = tpu.memref_slice %arg21[%dma_wait3A_90] : memref<640xf32, #tpu.memory_space<vmem>> -> memref<320xf32, #tpu.memory_space<vmem>>
    %dma_wait3A_92 = tpu.memref_slice %arg9[%add3A_77] : memref<20480xf32, #tpu.memory_space<hbm>> -> memref<320xf32, #tpu.memory_space<hbm>>
    %dma_wait3A_93 = tpu.memref_slice %arg9[%add3A_77] : memref<20480xf32, #tpu.memory_space<hbm>> -> memref<320xf32, #tpu.memory_space<hbm>>
    %dma_wait3A_94 = arith.constant 320 : i32
    %dma_wait3A_95 = tpu.memref_slice %arg21[%dma_wait3A_94] : memref<640xf32, #tpu.memory_space<vmem>> -> memref<320xf32, #tpu.memory_space<vmem>>
    tpu.wait_dma2 semaphore(%arg22 : memref<!tpu.dma_semaphore, #tpu.memory_space<semaphore_mem>>) src(%dma_wait3A_95 : memref<320xf32, #tpu.memory_space<vmem>>) dst(%dma_wait3A_93 : memref<320xf32, #tpu.memory_space<hbm>>)
    return
  }
}

</mosaic_0001>

<sc_bundles>
// kernel: kernel.3.cloned.1.call-start
scs
__scs_entry_jumppad:
0x0: {  	(pc) =	sbr.rel $0x88, $3  }
0x1: {  	(tag) =	ssettag $0x0;
	lr =	simm.s32 $0x1  }
0x2: {  	[smem:$0x3F9C] =	sst lr;
	_ =	strace $0xD0000000  }
0x3: {  	_ = 	snop  }
0x4: {  	_ = 	snop  }
0x5: {  	_ = 	snop  }
0x6: {  	_ = 	snop  }
0x7: {  	_ = 	snop  }
__scs_overlays_trampoline_lowered:
0x8: {  	[smem:$0x3FAB] =	sst s0  }
0x9: {  	[smem:$0x3FAC] =	sst s1  }
0xa: {  	[smem:$0x3FAD] =	sst s2  }
0xb: {  	[smem:$0x3FAE] =	sst s3  }
0xc: {  	[smem:$0x3FAF] =	sst s4  }
0xd: {  	[smem:$0x3FB0] =	sst s5  }
0xe: {  	[smem:$0x3FB1] =	sst s6  }
0xf: {  	[smem:$0x3FB2] =	sst s7  }
0x10: {  	[smem:$0x3FB3] =	sst s8  }
0x11: {  	[smem:$0x3FB4] =	sst s9;
	s0 =	simm.s32 @!p0 $0x0  }
0x12: {  	s1 =	sld [smem:$0x3F9A];
	s0 =	simm.s32 @p0 $0x1  }
0x13: {  	[smem:$0x3FB5] =	sst s0;
	s0 =	simm.s32 @!p1 $0x0  }
0x14: {  	s2 =	sld [smem:$0x3F99];
	s0 =	simm.s32 @p1 $0x1  }
0x15: {  	[smem:$0x3FB6] =	sst s0;
	s0 =	simm.s32 @!p2 $0x0  }
0x16: {  	s3 =	sld [smem:$0x3FDB];
	s0 =	simm.s32 @p2 $0x1  }
0x17: {  	s4 =	simm.s32 $0x1BF5;
	[smem:$0x3FB8] =	sst s0  }
0x18: {  	s0 =	sld [smem:$0x3F9B];
	_ =	swait.ge [sflag:s4], $0x0  }
0x19: {  	s7 =	sld [smem:$0x3F9C]  }
0x1a: {  	s8 =	sadd.s32 $0xFFFFE003, lr  }
0x1b: {  	s9 =	sadd.s32 $0xFFFFFEF7, lr;
	s5 =	simm.s32 $0xFFFFFFFF;
	p2 =	slt.u32 s8, $0xFFFFF086  }
0x1c: {  	p1 =	slt.u32 s9, $0xF7A;
	s5 =	simm.s32 @!p2 $0x0  }
0x1d: {  	s5 =	simm.s32 @p1 $0x1;
	p0 =	seq.s32 s7, s2  }
0x1e: {  	s7 =	smul.u32 @!p0 $0xF7A, s2;
	p2 =	seq.s32 @!p0 s5, $0x0  }
0x1f: {  	s9 =	smul.u32 $0xF7A, s1;
	s8 =	simm.s32 @!p0 $0x1BF5;
	p2 =	por !p2, p0  }
0x20: {  	[sflag:s8] =	ssyncset.s32 @!p0 $0xFFFFF086;
	s6 =	sadd.s32 @!p0 s3, s7;
	s7 =	simm.s32 @!p0 $0x108  }
0x21: {  	s3 =	sadd.s32 s3, s9;
	s6 =	sadd.s32 @!p0 $0x88, s6;
	s7 =	simm.s32 @p2 $0x1082  }
0x22: {  	[simem:s7], [sflag:s8] =	dma.local @!p0 [hbm:s6], $0xF7A  }
0x23: {  	s9 =	sor.u32 $0xD0000000, s2;
	s6 =	simm.s32 $0x108;
	_ =	swait.ge @!p0 [sflag:s8], $0x0  }
0x24: {  	s3 =	sadd.s32 $0x88, s3;
	s6 =	simm.s32 @!p1 $0x1082;
	[sflag:s4] =	ssyncset.s32 $0xFFFFF086  }
0x25: {  	[simem:s6], [sflag:s4] =	dma.local [hbm:s3], $0xF7A  }
0x26: {  	[smem:$0x3F9C] =	sst s1;
	(tag) =	ssettag s2;
	_ =	strace s9  }
0x27: {  	s1 =	sld [smem:$0x3FAC]  }
0x28: {  	s2 =	sld [smem:$0x3FAD]  }
0x29: {  	s4 =	sld [smem:$0x3FAF]  }
0x2a: {  	p0 =	seq.s32 s5, $0x0;
	s5 =	sld [smem:$0x3FB0]  }
0x2b: {  	s6 =	sld [smem:$0x3FB1]  }
0x2c: {  	s7 =	sld [smem:$0x3FB2]  }
0x2d: {  	s3 =	simm.s32 $0x108;
	s8 =	sld [smem:$0x3FB3]  }
0x2e: {  	s3 =	simm.s32 @!p0 $0x1082;
	s9 =	sld [smem:$0x3FB4]  }
0x2f: {  	lr =	sadd.s32 s0, s3;
	s0 =	sld [smem:$0x3FAB]  }
0x30: {  	s3 =	sld [smem:$0x3FAE]  }
0x31: {  	[smem:$0x3FB7] =	sst s10  }
0x32: {  	s10 =	sld [smem:$0x3FB5];
	_ =	sdelay $0x3  }
0x33: {  	p0 =	seq.s32 s10, $0x1;
	s10 =	sld [smem:$0x3FB7];
	_ =	sdelay $0x3  }
0x34: {  	[smem:$0x3FB7] =	sst s10  }
0x35: {  	s10 =	sld [smem:$0x3FB6];
	_ =	sdelay $0x3  }
0x36: {  	p1 =	seq.s32 s10, $0x1;
	s10 =	sld [smem:$0x3FB7];
	_ =	sdelay $0x3  }
0x37: {  	[smem:$0x3FB7] =	sst s10  }
0x38: {  	s10 =	sld [smem:$0x3FB8]  }
0x39: {  	_ = 	snop;
	(pc) =	sbr.ind lr, $3  }
0x3a: {  	_ = 	snop  }
0x3b: {  	_ = 	snop  }
0x3c: {  	p2 =	seq.s32 s10, $0x1;
	s10 =	sld [smem:$0x3FB7]  }
0x3d: {  	_ =	shalt  }
0x3e: {  	_ =	shalt  }
0x3f: {  	_ =	shalt  }
0x40: {  	_ =	shalt  }
0x41: {  	_ =	shalt  }
0x42: {  	_ =	shalt  }
0x43: {  	_ =	shalt  }
0x44: {  	_ =	shalt  }
0x45: {  	_ =	shalt  }
0x46: {  	_ =	shalt  }
0x47: {  	_ =	shalt  }
0x48: {  	_ =	shalt  }
0x49: {  	_ =	shalt  }
0x4a: {  	_ =	shalt  }
0x4b: {  	_ =	shalt  }
0x4c: {  	_ =	shalt  }
0x4d: {  	_ =	shalt  }
0x4e: {  	_ =	shalt  }
0x4f: {  	_ =	shalt  }
0x50: {  	_ =	shalt  }
0x51: {  	_ =	shalt  }
0x52: {  	_ =	shalt  }
0x53: {  	_ =	shalt  }
0x54: {  	_ =	shalt  }
0x55: {  	_ =	shalt  }
0x56: {  	_ =	shalt  }
0x57: {  	_ =	shalt  }
0x58: {  	_ =	shalt  }
0x59: {  	_ =	shalt  }
0x5a: {  	_ =	shalt  }
0x5b: {  	_ =	shalt  }
0x5c: {  	_ =	shalt  }
0x5d: {  	_ =	shalt  }
0x5e: {  	_ =	shalt  }
0x5f: {  	_ =	shalt  }
0x60: {  	_ =	shalt  }
0x61: {  	_ =	shalt  }
0x62: {  	_ =	shalt  }
0x63: {  	_ =	shalt  }
0x64: {  	_ =	shalt  }
0x65: {  	_ =	shalt  }
0x66: {  	_ =	shalt  }
0x67: {  	_ =	shalt  }
0x68: {  	_ =	shalt  }
0x69: {  	_ =	shalt  }
0x6a: {  	_ =	shalt  }
0x6b: {  	_ =	shalt  }
0x6c: {  	_ =	shalt  }
0x6d: {  	_ =	shalt  }
0x6e: {  	_ =	shalt  }
0x6f: {  	_ =	shalt  }
0x70: {  	_ =	shalt  }
0x71: {  	_ =	shalt  }
0x72: {  	_ =	shalt  }
0x73: {  	_ =	shalt  }
0x74: {  	_ =	shalt  }
0x75: {  	_ =	shalt  }
0x76: {  	_ =	shalt  }
0x77: {  	_ =	shalt  }
0x78: {  	_ =	shalt  }
0x79: {  	_ =	shalt  }
0x7a: {  	_ =	shalt  }
0x7b: {  	_ =	shalt  }
0x7c: {  	_ =	shalt  }
0x7d: {  	_ =	shalt  }
0x7e: {  	_ =	shalt  }
0x7f: {  	_ =	shalt  }
0x80: {  	_ =	shalt  }
0x81: {  	_ =	shalt  }
0x82: {  	_ =	shalt  }
0x83: {  	_ =	shalt  }
0x84: {  	_ =	shalt  }
0x85: {  	_ =	shalt  }
0x86: {  	_ =	shalt  }
0x87: {  	_ =	shalt  }
.Lfunc_end0:
.L_simem_size_0:
called_computation_lowered:
.L_overlay_start_0:
0x88: {  	s2 =	sld [smem:$0x3FD9]  }
0x89: {  	s3 =	sld [smem:$0x3FFE];
	_ =	sdelay $0x1  }
0x8a: {  	s1 =	srdreg.scid  }
0x8b: {  	s0 =	sand.u32 $0x1, s1  }
0x8c: {  	s17 =	sshll.u32 s0, $0xA;
	s2 =	sadd.s32 s3, s2  }
0x8d: {  	s2 =	sadd.s32 s2, s17  }
0x8e: {  	[smem:$0x3FC3] =	sst s2  }
0x8f: {  	_ = 	snop  }
0x90: {  	s2 =	sld [smem:$0x3FD0];
	(tm) =	ssettm $0x1  }
0x91: {  	s18 =	sld [smem:$0x3FFB];
	_ =	sdelay $0x3  }
0x92: {  	_ =	strace s18  }
0x93: {  	s3 =	sld [smem:$0x3FFC];
	_ =	sdelay $0x3  }
0x94: {  	_ =	strace s3  }
0x95: {  	s3 =	sld [smem:$0x3FFD];
	_ =	sdelay $0x3  }
0x96: {  	_ =	strace s3  }
0x97: {  	_ =	strace $0x8FFFFFFF  }
0x98: {  	s19 =	sld [smem:$0x3FDB];
	_ =	sdelay $0x1  }
0x99: {  	s4 =	simm.s32 $_scs_section_size  }
0x9a: {  	s5 =	simm.s32 $_size__tile_overlayer_lowered;
	s6 =	simm.s32 $_tile_overlayer_lowered  }
0x9b: {  	s22 =	simm.s32 $0x1BFF;
	s21 =	sshll.u32 s6, $0x1;
	s3 =	sadd.s32 s4, s19  }
0x9c: {  	s7 =	simm.s32 $0x0;
	s20 =	sshll.u32 s5, $0x1;
	s5 =	sadd.s32 s21, s3  }
0x9d: {  	[timem:s7], [sflag:s22] =	dma.local [hbm:s5], s20  }
0x9e: {  	_ =	swait.ge [sflag:s22], s20  }
0x9f: {  	s4 =	ssub.s32 $0x0, s20;
	[sflag:s22] =	ssyncset.done $0x0  }
0xa0: {  	[sflag:s22] =	ssyncadd.s32 s4;
	_ =	sdelay $0x1  }
0xa1: {  	s23 =	simm.s32 $0x1B8B  }
0xa2: {  	_ =	swait.ge [sflag:s23], $0x1  }
0xa3: {  	[sflag:s23] =	ssyncset.done $0x0  }
0xa4: {  	s25 =	simm.s32 $0x1B8E;
	s24 =	sld [smem:$0x3FFE];
	[sflag:s23] =	ssyncadd.s32 $0xFFFFFFFF  }
0xa5: {  	s26 =	simm.s32 $execute0_lowered;
	[smem:$0x3FD2] =	sst s25  }
0xa6: {  	s5 =	sshll.u32 s26, $0x1;
	_ =	strace $0x80000046;
	[dreg:$0x1] =	wrdreg $0xFFFFFFFF  }
0xa7: {  	s28 =	simm.s32 $_size_execute0_lowered;
	s3 =	sadd.s32 s3, s5;
	[dreg:$0x0] =	wrdreg $0x0  }
0xa8: {  	s5 =	sshll.u32 s28, $0x1;
	[dreg:$0x2] =	wrdreg s3  }
0xa9: {  	[dreg:$0x3] =	wrdreg s5  }
0xaa: {  	[dreg:$0x4] =	wrdreg $0xC0  }
0xab: {  	_ =	task [dreg:s7], $0x5FFFF  }
0xac: {  	[dreg:$0x1] =	wrdreg $0xFFFFFFFF  }
0xad: {  	[dreg:$0x0] =	wrdreg $0x60  }
0xae: {  	[dreg:$0x2] =	wrdreg s2  }
0xaf: {  	[dreg:$0x3] =	wrdreg s24  }
0xb0: {  	[dreg:$0x4] =	wrdreg $0x9  }
0xb1: {  	_ =	task.clear_ibuf [dreg:s7], $0x5FFFF;
	_ =	strace $0x90000046  }
0xb2: {  	s29 =	simm.s32 $0x9;
	_ =	strace $0x80000048  }
0xb3: {  	_ =	swait.ge [sflag:s29], $0x1  }
0xb4: {  	[sflag:s29] =	ssyncadd.s32 $0xFFFFFFFF  }
0xb5: {  	_ =	strace $0x90000048  }
0xb6: {  	_ =	sfence  }
0xb7: {  	s30 =	sld [smem:$0x0];
	_ =	sdelay $0x2  }
0xb8: {  	s31 =	sshll.u32 s1, $0xD;
	s1 =	sshrl.u32 s1, $0x2  }
0xb9: {  	s3 =	sand.u32 $0x4000, s31;
	s1 =	sadd.s32 s1, s30  }
0xba: {  	s0 =	sor.u32 s3, s0;
	s1 =	sshll.u32 s1, $0x11  }
0xbb: {  	s0 =	sor.u32 s1, s0  }
0xbc: {  	s0 =	sadd.s32 $0x8F2B, s0  }
0xbd: {  	[sflag:s0] =	ssyncadd.remote.s32 $0x1  }
0xbe: {  	_ =	sfence.sel $0xFFFF  }
0xbf: {  	[dreg:$0x0] =	wrdreg $0xFFFFFFFF;
	(pc) =	sbr.abs _section_cstart, $3  }
0xc0: {  	[dreg:$0x1] =	wrdreg $0xFFFFFFFF  }
0xc1: {  	_ =	task.clear_ibuf [dreg:s7], $0x2FFFF;
	_ =	strace $0x9FFFFFFF  }
0xc2: {  	(tm) =	ssettm $0x7FFFFFFF  }
0xc3: {  	_ =	shalt  }
tec
execute0_lowered:
.L_overlay_start_1:
0x0: {  	(tag) =	ssettag $0x1  }
0x1: {  	s0 =	rddreg [dreg:$0x0]  }
0x2: {  	s1 =	srdreg.scid;
	s7 =	stileid.u32  }
0x3: {  	s4 =	rddreg [dreg:$0x1];
	s2 =	simm.s32 $0x0;
	s14 =	smul.u32 $0x140, s7  }
0x4: {  	s30 =	simm.s32 $0x0;
	s1 =	sand.u32 $0x1, s1;
	s5 =	smul.u32 $0xF0, s7  }
0x5: {  	[smem:$0x7FF] =	sst s2;
	s13 =	sadd.s32 $0x3600, s4;
	s16 =	sadd.s32 $0x4000, s4  }
0x6: {  	s3 =	sshll.u32 s1, $0x4;
	_ =	strace $0x80000047;
	s12 =	smul.u32 $0x2800, s1  }
0x7: {  	s23 =	ssub.s32 $0x2, s1;
	s1 =	smul.u32 $0x1400, s1;
	s3 =	sor.u32 s7, s3  }
0x8: {  	s6 =	sshrl.u32 s14, $0x3;
	s9 =	sadd.s32 s5, s4;
	s20 =	smul.u32 $0x140, s3  }
0x9: {  	s25 =	sshrl.u32 s23, $0x1;
	s8 =	sadd.s32 s6, s4;
	s21 =	smul.u32 $0x78, s3  }
0xa: {  	s3 =	smul.u32 $0x280, s7;
	s19 =	ssub.s32 s23, s25;
	s9 =	sadd.s32 $0x2200, s9  }
0xb: {  	s29 =	sshrl.u32 s12, $0x3;
	s31 =	sadd.s32 s14, s1;
	s14 =	sadd.s32 $0x3B00, s14  }
0xc: {  	s1 =	sshrl.u32 s1, $0x3;
	s23 =	simm.s32 $0x1;
	s25 =	simm.s32 $0xA00  }
0xd: {  	s8 =	sadd.s32 $0x3200, s8;
	s19 =	smax.u32 s19, $0x1;
	s22 =	sshrl.u32 s20, $0x3  }
0xe: {  	s10 =	sadd.s32 s21, s4;
	s24 =	sshrl.u32 s3, $0x3;
	s28 =	sadd.s32 s3, s12  }
0xf: {  	s12 =	sadd.s32 $0xA00, s3;
	s21 =	simm.s32 $0x3380;
	s18 =	sadd.s32 s22, s4  }
0x10: {  	s4 =	sadd.s32 s4, s24;
	s0 =	sadd.s32 s0, s24;
	s10 =	sadd.s32 $0x1200, s10  }
0x11: {  	v0 =	vlaneseq.u32;
	s22 =	simm.s32 $0x4F00;
	s24 =	simm.s32 $0x2;
	[dreg:$0x3] =	wrdreg s0  }
0x12: {  	v1 =	vmul.u32 $0x6, v0;
	s26 =	sadd.s32 $0x600, s4;
	s7 =	sadd.s32 $0xC00, s4;
	s0 =	sshrl.u32 s28, $0x3  }
0x13: {  	v3 =	vimm.f32 $0.0e+00;
	s17 =	sadd.s32 $0x4600, s18;
	s18 =	sadd.s32 $0x4B00, s18;
	[dreg:$0x4] =	wrdreg s26  }
0x14: {  	v4 =	vor.u32 $0x1, v1;
	v5 =	vadd.s32 $0x2, v1;
	v6 =	vadd.s32 $0x3, v1;
	s11 =	sadd.s32 s13, s0;
	s13 =	sadd.s32 s13, s29;
	s0 =	sshrl.u32 s31, $0x3  }
0x15: {  	v7 =	vadd.s32 $0x4, v1;
	v8 =	vadd.s32 $0x5, v1;
	v2 =	vmov s20;
	s26 =	simm.s32 $0x3B00;
	s15 =	sadd.s32 s16, s0;
	s16 =	sadd.s32 s16, s1  }
.LBB2_1:
0x16: {  	s0 =	rddreg [dreg:$0x3]  }
0x17: {  	[tilespmem:s2], [sflag:$0x1] =	stream.linear.gather [hbm4b:s0+s2], $0x280, $0x38;
	[tilespmem:$0x5580] =	vst v63  }
0x18: {  	s0 =	simm.s32 $0x280  }
0x19: {  	[tilespmem:s0], [sflag:$0x1] =	stream.linear.gather [hbm4b:s4+s2], $0x280, $0x38;
	[tilespmem:$0x5580] =	vst v63  }
0x1a: {  	s1 =	simm.s32 $0x500;
	s5 =	rddreg [dreg:$0x4]  }
0x1b: {  	[tilespmem:s1], [sflag:$0x1] =	stream.linear.gather [hbm4b:s5+s2], $0x280, $0x38;
	[tilespmem:$0x5580] =	vst v63  }
0x1c: {  	s20 =	simm.s32 $0x780  }
0x1d: {  	[tilespmem:s20], [sflag:$0x1] =	stream.linear.gather [hbm4b:s7+s2], $0x280, $0x38;
	[tilespmem:$0x5580] =	vst v63  }
0x1e: {  	s6 =	simm.s32 $0x3200  }
0x1f: {  	[tilespmem:s6], [sflag:$0x1] =	stream.linear.gather [hbm4b:s8+s2], $0x140, $0x38;
	[tilespmem:$0x5580] =	vst v63  }
0x20: {  	_ = 	snop  }
0x21: {  	[tilespmem:s21], [sflag:$0x1] =	stream.linear.gather [hbm4b:s9+s2], $0x780, $0x38;
	[tilespmem:$0x5580] =	vst v63  }
0x22: {  	_ = 	snop  }
0x23: {  	[tilespmem:s22], [sflag:$0x1] =	stream.linear.gather [hbm4b:s10+s2], $0x3C0, $0x38;
	[tilespmem:$0x5580] =	vst v63  }
0x24: {  	_ =	swait.ge [sflag:s23], $0x280  }
0x25: {  	[sflag:s23] =	ssyncset.done $0x0  }
0x26: {  	[sflag:s23] =	ssyncadd.s32 $0xFFFFFD80  }
0x27: {  	_ =	swait.ge [sflag:s23], $0x280  }
0x28: {  	[sflag:s23] =	ssyncset.done $0x0  }
0x29: {  	[sflag:s23] =	ssyncadd.s32 $0xFFFFFD80  }
0x2a: {  	_ =	swait.ge [sflag:s23], $0x280  }
0x2b: {  	[sflag:s23] =	ssyncset.done $0x0  }
0x2c: {  	[sflag:s23] =	ssyncadd.s32 $0xFFFFFD80  }
0x2d: {  	_ =	swait.ge [sflag:s23], $0x280  }
0x2e: {  	[sflag:s23] =	ssyncset.done $0x0  }
0x2f: {  	[sflag:s23] =	ssyncadd.s32 $0xFFFFFD80  }
0x30: {  	v9 =	vld [tilespmem:s20+$0x0]  }
0x31: {  	v10 =	vld [tilespmem:s0+$0x0]  }
0x32: {  	v11 =	vld [tilespmem:s1+$0x0]  }
0x33: {  	s28 =	simm.s32 $0x10;
	s31 =	simm.s32 $0x0;
	s29 =	simm.s32 $0x0;
	v12 =	vld [tilespmem:s2+$0x0]  }
.LBB2_2:
0x34: {  	p0 =	sne.s32 s28, $0x270;
	_ =	sdelay $0x3  }
0x35: {  	v9 =	vmul.f32 v9, v10;
	v11 =	vmul.f32 v11, v12;
	_ =	sdelay $0x1  }
0x36: {  	v10 =	vadd.f32 v9, v11;
	_ =	sdelay $0x1  }
0x37: {  	(erf) = vrcp.f32 v10;
	_ =	sdelay $0x7  }
0x38: {  	v9 =	vsub.f32 v11, v9  }
0x39: {  	s5 =	sadd.s32 s31, s3;
	v10 =	vpop (erf)  }
0x3a: {  	s6 =	sand.u32 $0x70, s31;
	s31 =	smov.u32 s28;
	s5 =	sand.u32 $0x7F80, s5;
	v9 =	vmul.f32 v10, v9  }
0x3b: {  	s5 =	sor.u32 s6, s5  }
.Ltmp0:
0x3c: {  	s20 =	sadd.s32 $0x10, s20;
	[tilespmem:s5+$0xA00] =	vst v9;
	(pc) =	sbr.rel @p0 .LBB2_2-.Ltmp0, $4  }
0x3d: {  	s0 =	sadd.s32 $0x10, s0;
	v9 =	vld [tilespmem:s20+$0x0]  }
0x3e: {  	s1 =	sadd.s32 $0x10, s1;
	v10 =	vld [tilespmem:s0+$0x0]  }
0x3f: {  	s29 =	sadd.s32 $0x10, s29;
	v11 =	vld [tilespmem:s1+$0x0]  }
0x40: {  	s28 =	sadd.s32 $0x10, s28;
	v12 =	vld [tilespmem:s29+$0x0]  }
0x41: {  	_ =	sdelay $0x3  }
0x42: {  	v9 =	vmul.f32 v9, v10;
	v11 =	vmul.f32 v11, v12;
	_ =	sdelay $0x1  }
0x43: {  	v10 =	vadd.f32 v9, v11;
	_ =	sdelay $0x1  }
0x44: {  	(erf) = vrcp.f32 v10;
	_ =	sdelay $0x7  }
0x45: {  	v9 =	vsub.f32 v11, v9  }
0x46: {  	s0 =	sadd.s32 s31, s3;
	v10 =	vpop (erf)  }
0x47: {  	s1 =	sand.u32 $0x70, s31;
	s0 =	sand.u32 $0x7F80, s0;
	v9 =	vmul.f32 v10, v9  }
0x48: {  	s0 =	sor.u32 s1, s0  }
0x49: {  	s6 =	simm.s32 $0x0;
	[tilespmem:s0+$0xA00] =	vst v9  }
0x4a: {  	[hbm4b:s11+s6] =	stream.linear.scatter [tilespmem:s12], [sflag:$0x2], $0x280, $0x38;
	[tilespmem:$0x5580] =	vst v63  }
0x4b: {  	_ =	swait.ge [sflag:s24], $0x280  }
0x4c: {  	[sflag:s24] =	ssyncset.done $0x0  }
0x4d: {  	[sflag:s24] =	ssyncadd.s32 $0xFFFFFD80  }
0x4e: {  	[bflag:$0x0] =	sbarrier.arrive $0xFFFF  }
0x4f: {  	v9 =	vmov s6;
	[tilespmem:s25], [sflag:$0x1] =	stream.linear.gather [hbm4b:s13+s6], $0x2800, $0x38;
	[tilespmem:$0x5580] =	vst v63  }
0x50: {  	v9 =	vmul.u32 $0x6, v9;
	_ =	swait.ge [sflag:s23], $0x140  }
0x51: {  	[sflag:s23] =	ssyncset.done $0x0  }
0x52: {  	v9 =	vbroadcast v9, $0x0;
	[sflag:s23] =	ssyncadd.s32 $0xFFFFFEC0  }
0x53: {  	_ =	swait.ge [sflag:s23], $0x780  }
0x54: {  	v10 =	vadd.s32 v4, v9;
	[sflag:s23] =	ssyncset.done $0x0  }
0x55: {  	v11 =	vadd.s32 v1, v9;
	[sflag:s23] =	ssyncadd.s32 $0xFFFFF880  }
0x56: {  	_ =	swait.ge [sflag:s23], $0x2800  }
0x57: {  	v12 =	vadd.s32 v5, v9;
	[sflag:s23] =	ssyncset.done $0x0  }
0x58: {  	v13 =	vadd.s32 v6, v9;
	[sflag:s23] =	ssyncadd.s32 $0xFFFFD800  }
0x59: {  	v10 =	vld.idx.msk [tilespmem:v10+s21+$0x0], $0xffff  }
0x5a: {  	v14 =	vadd.s32 v8, v9;
	v9 =	vadd.s32 v7, v9;
	v11 =	vld.idx.msk [tilespmem:v11+s21+$0x0], $0xffff;
	_ =	sdelay $0x1  }
0x5b: {  	v12 =	vld.idx.msk [tilespmem:v12+s21+$0x0], $0xffff  }
0x5c: {  	v13 =	vld.idx.msk [tilespmem:v13+s21+$0x0], $0xffff;
	_ =	sdelay $0x1  }
0x5d: {  	v9 =	vld.idx.msk [tilespmem:v9+s21+$0x0], $0xffff  }
0x5e: {  	v14 =	vld.idx.msk [tilespmem:v14+s21+$0x0], $0xffff  }
0x5f: {  	v10 =	vld.idx.msk [tilespmem:v10+s25+$0x0], $0xffff  }
0x60: {  	v11 =	vld.idx.msk [tilespmem:v11+s25+$0x0], $0xffff;
	_ =	sdelay $0x1  }
0x61: {  	v12 =	vld.idx.msk [tilespmem:v12+s25+$0x0], $0xffff  }
0x62: {  	v13 =	vld.idx.msk [tilespmem:v13+s25+$0x0], $0xffff;
	_ =	sdelay $0x1  }
0x63: {  	v9 =	vld.idx.msk [tilespmem:v9+s25+$0x0], $0xffff;
	vm0 =	veq.f32 v11, $0.0e+00;
	vm1 =	veq.f32 v10, $0.0e+00  }
0x64: {  	s20 =	simm.s32 $0x3200;
	v11 =	vsel vm0, $0x3F800000, v11;
	v10 =	vsel vm1, $0x3F800000, v10  }
0x65: {  	v15 =	vld [tilespmem:s20+$0x0];
	vm2 =	veq.f32 v12, $0.0e+00;
	v10 =	vmul.f32 v10, v11  }
0x66: {  	vm3 =	veq.f32 v13, $0.0e+00;
	v12 =	vsel vm2, $0x3F800000, v12;
	v11 =	vld.idx.msk [tilespmem:v14+s25+$0x0], $0xffff  }
0x67: {  	v16 =	vsel vm1, $0x3F800000, v3;
	v14 =	vsel vm0, $0x3F800000, v3;
	v10 =	vmul.f32 v12, v10  }
0x68: {  	v13 =	vsel vm3, $0x3F800000, v13;
	vm0 =	veq.f32 v9, $0.0e+00;
	v14 =	vadd.f32 v16, v14  }
0x69: {  	s28 =	simm.s32 $0x10;
	v60 =	vsel vm2, $0x3F800000, v3;
	v9 =	vsel vm0, $0x3F800000, v9;
	v10 =	vmul.f32 v13, v10  }
0x6a: {  	v12 =	vmov s28;
	v13 =	vadd.f32 v60, v14;
	v14 =	vadd.f32 v15, v15  }
0x6b: {  	v15 =	vsel vm3, $0x3F800000, v3;
	vm1 =	veq.f32 v11, $0.0e+00;
	v9 =	vmul.f32 v9, v10  }
0x6c: {  	v10 =	vmul.u32 $0x6, v12;
	v12 =	vadd.f32 v15, v13;
	v11 =	vsel vm1, $0x3F800000, v11  }
0x6d: {  	v13 =	vsel vm0, $0x3F800000, v3;
	v9 =	vmul.f32 v11, v9;
	v11 =	vsub.f32 $1.000000000e+00, v14  }
0x6e: {  	v12 =	vadd.f32 v13, v12  }
0x6f: {  	v10 =	vbroadcast v10, $0x0;
	v13 =	vsel vm1, $0x3F800000, v3;
	v9 =	vmul.f32 v9, v11  }
0x70: {  	v11 =	vadd.f32 v13, v12  }
0x71: {  	v12 =	vadd.s32 v4, v10;
	v13 =	vadd.f32 $4.000000000e+00, v9  }
0x72: {  	v14 =	vadd.s32 v1, v10;
	vm0 =	veq.f32 v11, $1.000000000e+00  }
0x73: {  	vm1 =	vge.f32 v11, $2.000000000e+00;
	v9 =	vsel vm0, v13, v9  }
0x74: {  	v11 =	vadd.s32 v5, v10;
	v9 =	vsel vm1, $0x41000000, v9  }
0x75: {  	[tilespmem:s14+$0x0] =	vst v9  }
0x76: {  	v13 =	vadd.s32 v6, v10;
	v9 =	vld.idx.msk [tilespmem:v12+s21+$0x0], $0xffff  }
0x77: {  	v12 =	vld.idx.msk [tilespmem:v14+s21+$0x0], $0xffff;
	v14 =	vadd.s32 v8, v10  }
0x78: {  	v10 =	vadd.s32 v7, v10  }
0x79: {  	v11 =	vld.idx.msk [tilespmem:v11+s21+$0x0], $0xffff;
	_ =	sdelay $0x1  }
0x7a: {  	v13 =	vld.idx.msk [tilespmem:v13+s21+$0x0], $0xffff  }
0x7b: {  	v14 =	vld.idx.msk [tilespmem:v14+s21+$0x0], $0xffff  }
0x7c: {  	v10 =	vld.idx.msk [tilespmem:v10+s21+$0x0], $0xffff  }
0x7d: {  	v9 =	vld.idx.msk [tilespmem:v9+s25+$0x0], $0xffff  }
0x7e: {  	v12 =	vld.idx.msk [tilespmem:v12+s25+$0x0], $0xffff;
	_ =	sdelay $0x1  }
0x7f: {  	v11 =	vld.idx.msk [tilespmem:v11+s25+$0x0], $0xffff;
	_ =	sdelay $0x1  }
0x80: {  	v13 =	vld.idx.msk [tilespmem:v13+s25+$0x0], $0xffff  }
0x81: {  	vm0 =	veq.f32 v12, $0.0e+00;
	vm1 =	veq.f32 v9, $0.0e+00  }
0x82: {  	s31 =	simm.s32 $0x3210;
	v10 =	vld.idx.msk [tilespmem:v10+s25+$0x0], $0xffff;
	v12 =	vsel vm0, $0x3F800000, v12;
	v9 =	vsel vm1, $0x3F800000, v9  }
0x83: {  	v15 =	vld [tilespmem:s31+$0x0];
	vm2 =	veq.f32 v11, $0.0e+00;
	v9 =	vmul.f32 v9, v12  }
0x84: {  	v11 =	vsel vm2, $0x3F800000, v11;
	v61 =	vsel vm1, $0x3F800000, v3;
	v12 =	vld.idx.msk [tilespmem:v14+s25+$0x0], $0xffff  }
0x85: {  	vm3 =	veq.f32 v13, $0.0e+00;
	v14 =	vsel vm0, $0x3F800000, v3;
	v9 =	vmul.f32 v11, v9  }
0x86: {  	s29 =	simm.s32 $0x20;
	v62 =	vsel vm2, $0x3F800000, v3;
	v14 =	vadd.f32 v61, v14;
	v13 =	vsel vm3, $0x3F800000, v13  }
0x87: {  	v11 =	vmov s29;
	vm1 =	veq.f32 v10, $0.0e+00;
	v9 =	vmul.f32 v13, v9  }
0x88: {  	v13 =	vadd.f32 v62, v14;
	v10 =	vsel vm1, $0x3F800000, v10;
	v14 =	vadd.f32 v15, v15  }
0x89: {  	v15 =	vsel vm3, $0x3F800000, v3;
	vm0 =	veq.f32 v12, $0.0e+00;
	v63 =	vmul.f32 v10, v9  }
0x8a: {  	v9 =	vmul.u32 $0x6, v11;
	v10 =	vadd.f32 v15, v13;
	v11 =	vsel vm0, $0x3F800000, v12  }
0x8b: {  	s1 =	simm.s32 $0x30;
	s0 =	smov.u32 s14;
	v13 =	vsel vm1, $0x3F800000, v3;
	v12 =	vsub.f32 $1.000000000e+00, v14;
	v11 =	vmul.f32 v11, v63  }
.LBB2_4:
0x8c: {  	p0 =	sne.s32 s1, $0x130;
	v10 =	vadd.f32 v13, v10  }
0x8d: {  	v9 =	vbroadcast v9, $0x0;
	v13 =	vsel vm0, $0x3F800000, v3;
	v11 =	vmul.f32 v11, v12  }
0x8e: {  	v10 =	vadd.f32 v13, v10  }
0x8f: {  	v12 =	vadd.s32 v4, v9;
	v13 =	vadd.f32 $4.000000000e+00, v11  }
0x90: {  	v14 =	vadd.s32 v1, v9;
	vm0 =	veq.f32 v10, $1.000000000e+00  }
0x91: {  	vm1 =	vge.f32 v10, $2.000000000e+00;
	v10 =	vsel vm0, v13, v11  }
0x92: {  	s0 =	sadd.s32 $0x10, s0;
	v11 =	vadd.s32 v5, v9;
	v10 =	vsel vm1, $0x41000000, v10  }
0x93: {  	v13 =	vadd.s32 v6, v9;
	[tilespmem:s0+$0x0] =	vst v10  }
0x94: {  	v10 =	vld.idx.msk [tilespmem:v12+s21+$0x0], $0xffff  }
0x95: {  	v12 =	vld.idx.msk [tilespmem:v14+s21+$0x0], $0xffff;
	v14 =	vadd.s32 v8, v9  }
0x96: {  	v9 =	vadd.s32 v7, v9  }
0x97: {  	v11 =	vld.idx.msk [tilespmem:v11+s21+$0x0], $0xffff  }
0x98: {  	v13 =	vld.idx.msk [tilespmem:v13+s21+$0x0], $0xffff;
	_ =	sdelay $0x1  }
0x99: {  	v14 =	vld.idx.msk [tilespmem:v14+s21+$0x0], $0xffff  }
0x9a: {  	v9 =	vld.idx.msk [tilespmem:v9+s21+$0x0], $0xffff  }
0x9b: {  	v10 =	vld.idx.msk [tilespmem:v10+s25+$0x0], $0xffff  }
0x9c: {  	v12 =	vld.idx.msk [tilespmem:v12+s25+$0x0], $0xffff;
	_ =	sdelay $0x1  }
0x9d: {  	v11 =	vld.idx.msk [tilespmem:v11+s25+$0x0], $0xffff  }
0x9e: {  	v13 =	vld.idx.msk [tilespmem:v13+s25+$0x0], $0xffff;
	_ =	sdelay $0x2  }
0x9f: {  	s31 =	sadd.s32 $0x10, s31;
	vm1 =	veq.f32 v10, $0.0e+00;
	vm0 =	veq.f32 v12, $0.0e+00;
	v9 =	vld.idx.msk [tilespmem:v9+s25+$0x0], $0xffff  }
0xa0: {  	v10 =	vsel vm1, $0x3F800000, v10;
	v12 =	vsel vm0, $0x3F800000, v12;
	v15 =	vld [tilespmem:s31+$0x0]  }
0xa1: {  	v10 =	vmul.f32 v10, v12;
	vm2 =	veq.f32 v11, $0.0e+00;
	v12 =	vld.idx.msk [tilespmem:v14+s25+$0x0], $0xffff  }
0xa2: {  	v11 =	vsel vm2, $0x3F800000, v11;
	vm3 =	veq.f32 v13, $0.0e+00  }
0xa3: {  	v16 =	vsel vm1, $0x3F800000, v3;
	v14 =	vsel vm0, $0x3F800000, v3;
	v10 =	vmul.f32 v11, v10  }
0xa4: {  	v11 =	vmov s1;
	v14 =	vadd.f32 v16, v14;
	v13 =	vsel vm3, $0x3F800000, v13  }
.Ltmp1:
0xa5: {  	v16 =	vsel vm2, $0x3F800000, v3;
	v10 =	vmul.f32 v13, v10;
	vm1 =	veq.f32 v9, $0.0e+00;
	(pc) =	sbr.rel @p0 .LBB2_4-.Ltmp1, $4  }
0xa6: {  	v13 =	vadd.f32 v16, v14;
	v9 =	vsel vm1, $0x3F800000, v9;
	v14 =	vadd.f32 v15, v15  }
0xa7: {  	v15 =	vsel vm3, $0x3F800000, v3;
	v16 =	vmul.f32 v9, v10;
	vm0 =	veq.f32 v12, $0.0e+00  }
0xa8: {  	v9 =	vmul.u32 $0x6, v11;
	v10 =	vadd.f32 v15, v13;
	v11 =	vsel vm0, $0x3F800000, v12  }
0xa9: {  	s1 =	sadd.s32 $0x10, s1;
	v13 =	vsel vm1, $0x3F800000, v3;
	v12 =	vsub.f32 $1.000000000e+00, v14;
	v11 =	vmul.f32 v11, v16  }
0xaa: {  	v10 =	vadd.f32 v13, v10  }
0xab: {  	v9 =	vbroadcast v9, $0x0;
	v43 =	vsel vm0, $0x3F800000, v3;
	v11 =	vmul.f32 v11, v12  }
0xac: {  	v10 =	vadd.f32 v43, v10  }
0xad: {  	v44 =	vadd.s32 v4, v9;
	v45 =	vadd.f32 $4.000000000e+00, v11  }
0xae: {  	v14 =	vadd.s32 v1, v9;
	vm13 =	veq.f32 v10, $1.000000000e+00  }
0xaf: {  	vm1 =	vge.f32 v10, $2.000000000e+00;
	v10 =	vsel vm13, v45, v11  }
0xb0: {  	s0 =	sadd.s32 $0x10, s0;
	v11 =	vadd.s32 v5, v9;
	v10 =	vsel vm1, $0x41000000, v10  }
0xb1: {  	v46 =	vadd.s32 v6, v9;
	[tilespmem:s0+$0x0] =	vst v10  }
0xb2: {  	v10 =	vld.idx.msk [tilespmem:v44+s21+$0x0], $0xffff  }
0xb3: {  	v48 =	vadd.s32 v8, v9;
	v47 =	vld.idx.msk [tilespmem:v14+s21+$0x0], $0xffff  }
0xb4: {  	v9 =	vadd.s32 v7, v9  }
0xb5: {  	v11 =	vld.idx.msk [tilespmem:v11+s21+$0x0], $0xffff  }
0xb6: {  	v13 =	vld.idx.msk [tilespmem:v46+s21+$0x0], $0xffff;
	_ =	sdelay $0x1  }
0xb7: {  	v14 =	vld.idx.msk [tilespmem:v48+s21+$0x0], $0xffff  }
0xb8: {  	v9 =	vld.idx.msk [tilespmem:v9+s21+$0x0], $0xffff  }
0xb9: {  	v10 =	vld.idx.msk [tilespmem:v10+s25+$0x0], $0xffff  }
0xba: {  	v12 =	vld.idx.msk [tilespmem:v47+s25+$0x0], $0xffff;
	_ =	sdelay $0x1  }
0xbb: {  	v11 =	vld.idx.msk [tilespmem:v11+s25+$0x0], $0xffff  }
0xbc: {  	v13 =	vld.idx.msk [tilespmem:v13+s25+$0x0], $0xffff;
	_ =	sdelay $0x1  }
0xbd: {  	vm14 =	veq.f32 v12, $0.0e+00;
	vm15 =	veq.f32 v10, $0.0e+00  }
0xbe: {  	s1 =	sadd.s32 $0x10, s31;
	v9 =	vld.idx.msk [tilespmem:v9+s25+$0x0], $0xffff;
	v12 =	vsel vm14, $0x3F800000, v12;
	v10 =	vsel vm15, $0x3F800000, v10  }
0xbf: {  	v15 =	vld [tilespmem:s1+$0x0];
	v10 =	vmul.f32 v10, v12;
	vm2 =	veq.f32 v11, $0.0e+00  }
0xc0: {  	v49 =	vld.idx.msk [tilespmem:v14+s25+$0x0], $0xffff;
	vm3 =	veq.f32 v13, $0.0e+00;
	v11 =	vsel vm2, $0x3F800000, v11  }
0xc1: {  	v50 =	vsel vm14, $0x3F800000, v3;
	v16 =	vsel vm15, $0x3F800000, v3;
	v10 =	vmul.f32 v11, v10  }
0xc2: {  	v13 =	vsel vm3, $0x3F800000, v13;
	v11 =	vadd.f32 v16, v50  }
0xc3: {  	vm5 =	veq.f32 v9, $0.0e+00;
	v51 =	vsel vm2, $0x3F800000, v3;
	v10 =	vmul.f32 v13, v10  }
0xc4: {  	v52 =	vadd.f32 v15, v15;
	v9 =	vsel vm5, $0x3F800000, v9;
	v11 =	vadd.f32 v51, v11  }
0xc5: {  	vm6 =	veq.f32 v49, $0.0e+00;
	v53 =	vsel vm3, $0x3F800000, v3;
	v9 =	vmul.f32 v9, v10  }
0xc6: {  	v10 =	vadd.f32 v53, v11;
	v11 =	vsel vm6, $0x3F800000, v49  }
0xc7: {  	v54 =	vsel vm5, $0x3F800000, v3;
	v9 =	vmul.f32 v11, v9;
	v11 =	vsub.f32 $1.000000000e+00, v52  }
0xc8: {  	v10 =	vadd.f32 v54, v10  }
0xc9: {  	v55 =	vsel vm6, $0x3F800000, v3;
	v9 =	vmul.f32 v9, v11  }
0xca: {  	v10 =	vadd.f32 v55, v10  }
0xcb: {  	v11 =	vadd.f32 $4.000000000e+00, v9  }
0xcc: {  	vm7 =	veq.f32 v10, $1.000000000e+00  }
0xcd: {  	vm8 =	vge.f32 v10, $2.000000000e+00;
	v9 =	vsel vm7, v11, v9  }
0xce: {  	s0 =	sadd.s32 $0x10, s0;
	v9 =	vsel vm8, $0x41000000, v9  }
0xcf: {  	s28 =	simm.s32 $0x0;
	[tilespmem:s0+$0x0] =	vst v9  }
0xd0: {  	[hbm4b:s15+s28] =	stream.linear.scatter [tilespmem:s14], [sflag:$0x2], $0x140, $0x38;
	[tilespmem:$0x5580] =	vst v63  }
0xd1: {  	_ =	swait.ge [sflag:s24], $0x140  }
0xd2: {  	[sflag:s24] =	ssyncset.done $0x0  }
0xd3: {  	[sflag:s24] =	ssyncadd.s32 $0xFFFFFEC0  }
0xd4: {  	v9 =	vor.u32 s28, v0;
	[bflag:$0x0] =	sbarrier.arrive $0xFFFF  }
0xd5: {  	v10 =	vmul.u32 $0x3, v9;
	[tilespmem:s26], [sflag:$0x1] =	stream.linear.gather [hbm4b:s16+s28], $0x1400, $0x38;
	[tilespmem:$0x5580] =	vst v63  }
0xd6: {  	_ =	swait.ge [sflag:s23], $0x3C0  }
0xd7: {  	v11 =	vadd.s32 $0x2, v10;
	[sflag:s23] =	ssyncset.done $0x0  }
0xd8: {  	v9 =	vadd.s32 v2, v9;
	[sflag:s23] =	ssyncadd.s32 $0xFFFFFC40  }
0xd9: {  	_ =	swait.ge [sflag:s23], $0x1400  }
0xda: {  	v56 =	vadd.s32 $0x1, v10;
	[sflag:s23] =	ssyncset.done $0x0  }
0xdb: {  	[sflag:s23] =	ssyncadd.s32 $0xFFFFEC00  }
0xdc: {  	v11 =	vld.idx.msk [tilespmem:v11+s22+$0x0], $0xffff  }
0xdd: {  	v9 =	vld.idx.msk [tilespmem:v9+s25+$0x0], $0xffff  }
0xde: {  	v10 =	vld.idx.msk [tilespmem:v10+s22+$0x0], $0xffff  }
0xdf: {  	v12 =	vld.idx.msk [tilespmem:v56+s22+$0x0], $0xffff;
	_ =	sdelay $0x4  }
0xe0: {  	(erf) = vrcp.f32 v9  }
0xe1: {  	v11 =	vld.idx.msk [tilespmem:v11+s26+$0x0], $0xffff  }
0xe2: {  	v10 =	vld.idx.msk [tilespmem:v10+s26+$0x0], $0xffff  }
0xe3: {  	v12 =	vld.idx.msk [tilespmem:v12+s26+$0x0], $0xffff;
	_ =	sdelay $0x1  }
0xe4: {  	vm9 =	veq.f32 v9, $0.0e+00  }
0xe5: {  	v9 =	vadd.f32 $-4.000000000e+00, v11;
	v57 =	vand.u32 $0x7FFFFFFF, v11;
	vm10 =	vlt.f32 v11, $6.000000000e+00  }
0xe6: {  	v58 =	vadd.f32 $-4.000000000e+00, v10;
	v59 =	vand.u32 $0x7FFFFFFF, v10;
	vm11 =	vlt.f32 v10, $6.000000000e+00  }
0xe7: {  	v17 =	vadd.f32 $-4.000000000e+00, v12;
	vm12 =	vlt.f32 v12, $6.000000000e+00;
	v18 =	vand.u32 $0x7FFFFFFF, v12  }
0xe8: {  	v60 =	vpop (erf);
	vm1 =	vmand vm10, vm9;
	vm3 =	vmand vm12, vm9;
	vm0 =	vmand vm11, vm9  }
0xe9: {  	vm13 =	vlt.f32 v18, $2.000000000e+00;
	vm14 =	vlt.f32 v59, $2.000000000e+00;
	v11 =	vmul.f32 v11, v60  }
0xea: {  	vm15 =	vlt.f32 v57, $2.000000000e+00;
	v10 =	vmul.f32 v10, v60;
	v12 =	vmul.f32 v12, v60  }
0xeb: {  	v17 =	vnsel vm3, $0x0, v17;
	v14 =	vnsel vm0, $0x0, v58;
	v9 =	vnsel vm1, $0x0, v9  }
0xec: {  	v10 =	vsel vm14, v10, v14;
	v12 =	vsel vm13, v12, v17;
	v9 =	vsel vm15, v11, v9  }
0xed: {  	v11 =	vmul.f32 v12, v10;
	v61 =	vmul.f32 v9, v10;
	_ =	sdelay $0x1  }
0xee: {  	v62 =	vmul.f32 v9, v12;
	v13 =	vadd.f32 v61, v11;
	_ =	sdelay $0x1  }
0xef: {  	v10 =	vadd.f32 v12, v10;
	v63 =	vadd.f32 v13, v62;
	_ =	sdelay $0x1  }
0xf0: {  	v10 =	vadd.f32 v9, v10;
	v9 =	vmul.f32 v9, v11;
	v11 =	vadd.f32 $1.000000000e+00, v63;
	_ =	sdelay $0x1  }
0xf1: {  	s29 =	simm.s32 $0x10;
	(erf) = vrcp.f32 v11  }
0xf2: {  	s31 =	simm.s32 $0x5440;
	s1 =	simm.s32 $0x20;
	s0 =	simm.s32 $0x5440;
	v9 =	vadd.f32 v9, v10;
	v10 =	vor.u32 s29, v0  }
.LBB2_6:
0xf3: {  	p0 =	sne.s32 s1, $0x130  }
0xf4: {  	v11 =	vmul.u32 $0x3, v10;
	s31 =	sadd.s32 $0x10, s31;
	s20 =	smov.u32 s1;
	s1 =	sadd.s32 $0x10, s1  }
0xf5: {  	v10 =	vadd.s32 v2, v10  }
0xf6: {  	v12 =	vadd.s32 $0x1, v11;
	v13 =	vadd.s32 $0x2, v11;
	_ =	sdelay $0x3  }
0xf7: {  	v14 =	vpop (erf)  }
0xf8: {  	v9 =	vmul.f32 v14, v9;
	_ =	sdelay $0x1  }
0xf9: {  	v9 =	vmul.f32 $5.000000000e-01, v9;
	_ =	sdelay $0x1  }
0xfa: {  	v14 =	vadd.f32 $5.000000000e-01, v9;
	v9 =	vsub.f32 $5.000000000e-01, v9;
	_ =	sdelay $0x1  }
0xfb: {  	[tilespmem:s0+$0xFFFFFEC0] =	vst v14  }
0xfc: {  	[tilespmem:s0+$0x0] =	vst v9;
	s0 =	smov.u32 s31  }
0xfd: {  	v9 =	vld.idx.msk [tilespmem:v13+s22+$0x0], $0xffff  }
0xfe: {  	v10 =	vld.idx.msk [tilespmem:v10+s25+$0x0], $0xffff  }
0xff: {  	v11 =	vld.idx.msk [tilespmem:v11+s22+$0x0], $0xffff  }
0x100: {  	v12 =	vld.idx.msk [tilespmem:v12+s22+$0x0], $0xffff;
	_ =	sdelay $0x3  }
0x101: {  	(erf) = vrcp.f32 v10;
	_ =	sdelay $0x1  }
0x102: {  	v9 =	vld.idx.msk [tilespmem:v9+s26+$0x0], $0xffff  }
0x103: {  	v11 =	vld.idx.msk [tilespmem:v11+s26+$0x0], $0xffff  }
0x104: {  	v12 =	vld.idx.msk [tilespmem:v12+s26+$0x0], $0xffff;
	_ =	sdelay $0x2  }
0x105: {  	vm0 =	veq.f32 v10, $0.0e+00  }
0x106: {  	v10 =	vadd.f32 $-4.000000000e+00, v9;
	v13 =	vand.u32 $0x7FFFFFFF, v9;
	vm1 =	vlt.f32 v9, $6.000000000e+00  }
0x107: {  	v14 =	vadd.f32 $-4.000000000e+00, v11;
	v15 =	vand.u32 $0x7FFFFFFF, v11;
	vm2 =	vlt.f32 v11, $6.000000000e+00;
	v16 =	vpop (erf)  }
0x108: {  	vm1 =	vmand vm1, vm0;
	v17 =	vadd.f32 $-4.000000000e+00, v12;
	vm3 =	vlt.f32 v12, $6.000000000e+00  }
0x109: {  	v18 =	vand.u32 $0x7FFFFFFF, v12;
	vm3 =	vmand vm3, vm0;
	v9 =	vmul.f32 v9, v16  }
0x10a: {  	vm0 =	vmand vm2, vm0;
	vm2 =	vlt.f32 v18, $2.000000000e+00;
	v17 =	vnsel vm3, $0x0, v17  }
0x10b: {  	v11 =	vmul.f32 v11, v16;
	v12 =	vmul.f32 v12, v16;
	v14 =	vnsel vm0, $0x0, v14  }
0x10c: {  	v10 =	vnsel vm1, $0x0, v10;
	vm0 =	vlt.f32 v15, $2.000000000e+00;
	vm3 =	vlt.f32 v13, $2.000000000e+00  }
0x10d: {  	v11 =	vsel vm0, v11, v14;
	v12 =	vsel vm2, v12, v17;
	v9 =	vsel vm3, v9, v10  }
0x10e: {  	v10 =	vadd.f32 v12, v11;
	v13 =	vmul.f32 v12, v11;
	v11 =	vmul.f32 v9, v11  }
0x10f: {  	v12 =	vmul.f32 v9, v12  }
0x110: {  	v10 =	vadd.f32 v9, v10;
	v11 =	vadd.f32 v11, v13;
	v9 =	vmul.f32 v9, v13;
	_ =	sdelay $0x1  }
0x111: {  	v11 =	vadd.f32 v11, v12;
	v9 =	vadd.f32 v9, v10;
	_ =	sdelay $0x1  }
.Ltmp2:
0x112: {  	v10 =	vadd.f32 $1.000000000e+00, v11;
	(pc) =	sbr.rel @p0 .LBB2_6-.Ltmp2, $3  }
0x113: {  	_ = 	snop  }
0x114: {  	(erf) = vrcp.f32 v10;
	_ =	sdelay $0x1  }
0x115: {  	v10 =	vor.u32 s20, v0  }
0x116: {  	_ =	sdelay $0x5  }
0x117: {  	v11 =	vpop (erf)  }
0x118: {  	v9 =	vmul.f32 v11, v9  }
0x119: {  	v11 =	vmul.u32 $0x3, v10  }
0x11a: {  	v9 =	vmul.f32 $5.000000000e-01, v9  }
0x11b: {  	v12 =	vadd.s32 $0x2, v11  }
0x11c: {  	v10 =	vadd.s32 v2, v10;
	v13 =	vadd.f32 $5.000000000e-01, v9  }
0x11d: {  	v9 =	vsub.f32 $5.000000000e-01, v9  }
0x11e: {  	v14 =	vadd.s32 $0x1, v11;
	[tilespmem:s0+$0xFFFFFEC0] =	vst v13  }
0x11f: {  	[tilespmem:s0+$0x0] =	vst v9  }
0x120: {  	v9 =	vld.idx.msk [tilespmem:v12+s22+$0x0], $0xffff  }
0x121: {  	v10 =	vld.idx.msk [tilespmem:v10+s25+$0x0], $0xffff  }
0x122: {  	v11 =	vld.idx.msk [tilespmem:v11+s22+$0x0], $0xffff  }
0x123: {  	v59 =	vld.idx.msk [tilespmem:v14+s22+$0x0], $0xffff;
	_ =	sdelay $0x4  }
0x124: {  	(erf) = vrcp.f32 v10  }
0x125: {  	v9 =	vld.idx.msk [tilespmem:v9+s26+$0x0], $0xffff  }
0x126: {  	v11 =	vld.idx.msk [tilespmem:v11+s26+$0x0], $0xffff  }
0x127: {  	v12 =	vld.idx.msk [tilespmem:v59+s26+$0x0], $0xffff;
	_ =	sdelay $0x1  }
0x128: {  	vm0 =	veq.f32 v10, $0.0e+00  }
0x129: {  	v10 =	vadd.f32 $-4.000000000e+00, v9;
	v60 =	vand.u32 $0x7FFFFFFF, v9;
	vm1 =	vlt.f32 v9, $6.000000000e+00  }
0x12a: {  	v61 =	vadd.f32 $-4.000000000e+00, v11;
	v15 =	vand.u32 $0x7FFFFFFF, v11;
	vm2 =	vlt.f32 v11, $6.000000000e+00  }
0x12b: {  	v17 =	vadd.f32 $-4.000000000e+00, v12;
	vm3 =	vlt.f32 v12, $6.000000000e+00;
	v18 =	vand.u32 $0x7FFFFFFF, v12  }
0x12c: {  	v16 =	vpop (erf);
	vm1 =	vmand vm1, vm0;
	vm3 =	vmand vm3, vm0;
	vm0 =	vmand vm2, vm0  }
0x12d: {  	vm13 =	vlt.f32 v18, $2.000000000e+00;
	vm14 =	vlt.f32 v15, $2.000000000e+00;
	v9 =	vmul.f32 v9, v16  }
0x12e: {  	vm15 =	vlt.f32 v60, $2.000000000e+00;
	v11 =	vmul.f32 v11, v16;
	v12 =	vmul.f32 v12, v16  }
0x12f: {  	v17 =	vnsel vm3, $0x0, v17;
	v14 =	vnsel vm0, $0x0, v61;
	v10 =	vnsel vm1, $0x0, v10  }
0x130: {  	v11 =	vsel vm14, v11, v14;
	v12 =	vsel vm13, v12, v17;
	v9 =	vsel vm15, v9, v10  }
0x131: {  	v10 =	vmul.f32 v12, v11;
	v62 =	vmul.f32 v9, v11;
	_ =	sdelay $0x1  }
0x132: {  	v63 =	vmul.f32 v9, v12;
	v13 =	vadd.f32 v62, v10;
	_ =	sdelay $0x1  }
0x133: {  	v13 =	vadd.f32 v13, v63;
	_ =	sdelay $0x1  }
0x134: {  	v13 =	vadd.f32 $1.000000000e+00, v13;
	_ =	sdelay $0x1  }
0x135: {  	(erf) = vrcp.f32 v13;
	_ =	sdelay $0x3  }
0x136: {  	v11 =	vadd.f32 v12, v11;
	_ =	sdelay $0x1  }
0x137: {  	v11 =	vadd.f32 v9, v11;
	v9 =	vmul.f32 v9, v10;
	_ =	sdelay $0x1  }
0x138: {  	v9 =	vadd.f32 v9, v11  }
0x139: {  	v10 =	vpop (erf)  }
0x13a: {  	v9 =	vmul.f32 v10, v9;
	_ =	sdelay $0x1  }
0x13b: {  	v9 =	vmul.f32 $5.000000000e-01, v9;
	_ =	sdelay $0x1  }
0x13c: {  	v10 =	vadd.f32 $5.000000000e-01, v9  }
0x13d: {  	s28 =	sadd.s32 $0x10, s31;
	v9 =	vsub.f32 $5.000000000e-01, v9  }
0x13e: {  	[tilespmem:s28+$0xFFFFFEC0] =	vst v10  }
0x13f: {  	s29 =	simm.s32 $0x5300;
	[tilespmem:s28+$0x0] =	vst v9  }
0x140: {  	[hbm4b:s17+s2] =	stream.linear.scatter [tilespmem:s29], [sflag:$0x1], $0x140, $0x38;
	[tilespmem:$0x5580] =	vst v63  }
0x141: {  	s31 =	simm.s32 $0x5440;
	s30 =	sadd.s32 $0x1, s30  }
0x142: {  	[hbm4b:s18+s2] =	stream.linear.scatter [tilespmem:s31], [sflag:$0x1], $0x140, $0x38;
	[tilespmem:$0x5580] =	vst v63  }
0x143: {  	p0 =	sne.s32 s30, s19;
	_ =	swait.ge [sflag:s23], $0x140  }
.Ltmp3:
0x144: {  	[sflag:s23] =	ssyncset.done $0x0;
	(pc) =	sbr.rel @p0 .LBB2_1-.Ltmp3, $4  }
0x145: {  	[sflag:s23] =	ssyncadd.s32 $0xFFFFFEC0  }
0x146: {  	_ =	swait.ge [sflag:s23], $0x140  }
0x147: {  	[sflag:s23] =	ssyncset.done $0x0  }
0x148: {  	[sflag:s23] =	ssyncadd.s32 $0xFFFFFEC0  }
0x149: {  	_ =	sfence.sel $0x180000  }
0x14a: {  	[bflag:$0x0] =	sbarrier.arrive $0xFFFF  }
0x14b: {  	_ =	strace $0x90000047  }
0x14c: {  	s0 =	stileid.u32;
	[bflag:$0x2] =	sbarrier.arrive $0xFFFF  }
0x14d: {  	p0 =	sne.s32 s0, $0x0;
	s0 =	rddreg [dreg:$0x2]  }
0x14e: {  	s0 =	sadd.s32 @!p0 $0x100000, s0  }
0x14f: {  	[sflag:s0] =	ssyncadd.tile.s32 @!p0 $0x1;
	_ =	shalt  }
.Lfunc_end2:
_tile_overlayer_lowered:
.L_overlay_start_2:
0x150: {  	(tag) =	ssettag $0x2  }
0x151: {  	s0 =	rddreg [dreg:$0x0];
	s2 =	stileid.u32  }
0x152: {  	s1 =	rddreg [dreg:$0x1];
	p0 =	sne.s32 s2, $0x0  }
0x153: {  	s3 =	rddreg [dreg:$0x2];
	[bflag:$0x3] =	sbarrier.arrive $0xFFFF;
	s2 =	simm.s32 @!p0 $0x1C02  }
0x154: {  	[timem:s3], [sflag:s2] =	dma.local @!p0 [hbm:s0], s1  }
0x155: {  	s0 =	simm.s32 @!p0 $0x2  }
0x156: {  	_ =	swait.ge @!p0 [sflag:s0], s1  }
0x157: {  	s1 =	ssub.s32 @!p0 $0x0, s1;
	[sflag:s0] =	ssyncset.done @!p0 $0x0  }
0x158: {  	[sflag:s0] =	ssyncadd.s32 @!p0 s1  }
0x159: {  	[bflag:$0x3] =	sbarrier.arrive $0xFFFF  }
0x15a: {  	_ =	shalt  }

</sc_bundles>
